<compile_context>
chip_gen: v7x
topology: tpu7x:2x2x1
jax: 0.10.2.dev20260603
libtpu: 0.0.44.dev20260713+nightly
codegen_flags: <defaults>
</compile_context>

<pallas_src>
import functools

import jax
import jax.numpy as jnp
from jax import lax
from jax.experimental import pallas as pl
from jax.experimental.pallas import tpu as pltpu
from jax.experimental.pallas import tpu_sc as plsc

D_MODEL = 128
BASE_YEAR = 2022
MAX_DELTA = 128
TABLE_ROWS = 2 * MAX_DELTA + 1
BATCH = 16384

NUM_CORES = 2
NUM_SUBCORES = 16
LANES = 16
NUM_WORKERS = NUM_CORES * NUM_SUBCORES
B_PER_W = BATCH // NUM_WORKERS
CHUNK = 64
N_CHUNKS = B_PER_W // CHUNK


def _make_kernel():
    mesh = plsc.VectorSubcoreMesh(
        core_axis_name="c", subcore_axis_name="s",
        num_cores=NUM_CORES, num_subcores=NUM_SUBCORES,
    )

    @functools.partial(
        pl.kernel,
        mesh=mesh,
        out_type=jax.ShapeDtypeStruct((BATCH, D_MODEL), jnp.float32),
        scratch_types=[
            pltpu.VMEM_SHARED((TABLE_ROWS, D_MODEL), jnp.float32),
            pltpu.VMEM((B_PER_W,), jnp.int32),
            pltpu.VMEM((N_CHUNKS, CHUNK), jnp.int32),
            pltpu.VMEM((B_PER_W, D_MODEL), jnp.float32),
            pltpu.SemaphoreType.DMA,
            pltpu.SemaphoreType.DMA,
            pltpu.SemaphoreType.DMA,
        ],
    )
    def k(years_hbm, pe_hbm, out_hbm, pe_sh, yrs_v, idx_v, rows_v,
          in_sem, gat_sem, out_sem):
        sid = lax.axis_index("s")
        wid = sid * NUM_CORES + lax.axis_index("c")
        base = wid * B_PER_W
        c_yr = pltpu.async_copy(years_hbm.at[pl.ds(base, B_PER_W)], yrs_v, in_sem)

        @pl.when(sid == 0)
        def _stage_table():
            pltpu.sync_copy(pe_hbm, pe_sh)

        c_yr.wait()
        plsc.subcore_barrier()

        per_chunk = CHUNK // LANES
        gathers = []
        for j in range(N_CHUNKS):
            for i in range(per_chunk):
                y = yrs_v[pl.ds((j * per_chunk + i) * LANES, LANES)]
                idx = jnp.clip(y - (BASE_YEAR - MAX_DELTA), 0, 2 * MAX_DELTA)
                idx_v[j, pl.ds(i * LANES, LANES)] = idx
            gathers.append(pltpu.async_copy(
                pe_sh.at[idx_v.at[j]],
                rows_v.at[pl.ds(j * CHUNK, CHUNK)],
                gat_sem,
            ))
        for j in range(N_CHUNKS):
            gathers[j].wait()
            pltpu.async_copy(
                rows_v.at[pl.ds(j * CHUNK, CHUNK)],
                out_hbm.at[pl.ds(base + j * CHUNK, CHUNK)],
                out_sem,
            )
        pltpu.make_async_copy(
            rows_v,
            out_hbm.at[pl.ds(base, B_PER_W)],
            out_sem,
        ).wait()

    return k


_gather = _make_kernel()


@jax.jit
def kernel(years, pe):
    return _gather(years.astype(jnp.int32), pe)

# --- scband reference (transcript-rebuilt; emitter-appended) ---
"""Pipeline reference for scband-temporal-encoding-71012989272520 (READ-ONLY COPY).

The authoritative reference and input builder live on the scoring server;
editing this copy changes nothing except your own understanding.
"""

import jax, jax.numpy as jnp
import numpy as np
import math

D_MODEL = 128
BASE_YEAR = 2022
MAX_DELTA = 128
BATCH = 16384


def _build_pe(d_model: int, max_delta: int) -> jnp.ndarray:
    position = jnp.arange(-max_delta, max_delta + 1, dtype=jnp.float32)[:, None]
    div_term = jnp.exp(jnp.arange(0, d_model, 2, dtype=jnp.float32) * (-math.log(10000.0) / d_model))
    pe = jnp.zeros((2 * max_delta + 1, d_model), dtype=jnp.float32)
    pe = pe.at[:, 0::2].set(jnp.sin(position * div_term))
    pe = pe.at[:, 1::2].set(jnp.cos(position * div_term))
    return pe


def setup_inputs(seed: int = 0) -> dict:
    key = jax.random.key(seed)
    years = jax.random.randint(key, (BATCH,), 0, 4096)
    pe = _build_pe(D_MODEL, MAX_DELTA)
    return {"years": years, "pe": pe}


def reference(years, pe):
    # Faithful translation of TemporalEncoding.forward:
    # delta = clamp(y - base_year, -max_delta, max_delta); idx = delta + max_delta; gather pe[idx]
    delta = jnp.clip(years - BASE_YEAR, -MAX_DELTA, MAX_DELTA)
    idxs = delta + MAX_DELTA
    return jnp.take(pe, idxs, axis=0)

if __name__ == "__main__":
    import jax
    _d = setup_inputs()
    print(jax.jit(kernel)(*tuple(_d.values())))

</pallas_src>

<mosaic_0001>
#map = affine_map<(d0, d1) -> (0)>
#map1 = affine_map<(d0, d1) -> (0, 0)>
module attributes {stable_mosaic.version = 14 : i64} {
  func.func @k(%arg0: i32, %arg1: i32, %arg2: memref<16384xi32, #tpu.memory_space<hbm>>, %arg3: memref<257x128xf32, #tpu.memory_space<hbm>>, %arg4: memref<16384x128xf32, #tpu.memory_space<hbm>>, %arg5: memref<257x128xf32, #tpu.memory_space<vmem_shared>>, %arg6: memref<512xi32, #tpu.memory_space<vmem>>, %arg7: memref<8x64xi32, #tpu.memory_space<vmem>>, %arg8: memref<512x128xf32, #tpu.memory_space<vmem>>, %arg9: memref<!tpu.dma_semaphore, #tpu.memory_space<semaphore_mem>>, %arg10: memref<!tpu.dma_semaphore, #tpu.memory_space<semaphore_mem>>, %arg11: memref<!tpu.dma_semaphore, #tpu.memory_space<semaphore_mem>>) attributes {dimension_semantics = [#tpu.dimension_semantics<core_parallel>, #tpu.dimension_semantics<subcore_parallel>], iteration_bounds = array<i64: 2, 16>, scalar_prefetch = 0 : i64, scratch_operands = 7 : i64, tpu.core_type = #tpu.core_type<sc_vector_subcore>, window_params = [{transform_indices = #map}, {transform_indices = #map1}, {transform_indices = #map1}]} {
    %mul3A = arith.constant 2 : i32
    %mul3A_0 = arith.muli %arg1, %mul3A : i32
    %add3A = arith.addi %mul3A_0, %arg0 : i32
    %mul3A_1 = arith.constant 512 : i32
    %mul3A_2 = arith.muli %add3A, %mul3A_1 : i32
    %dma_start3A = tpu.memref_slice %arg2[%mul3A_2] : memref<16384xi32, #tpu.memory_space<hbm>> -> memref<512xi32, #tpu.memory_space<hbm>>
    %dma_start3A_3 = tpu.memref_slice %arg2[%mul3A_2] : memref<16384xi32, #tpu.memory_space<hbm>> -> memref<512xi32, #tpu.memory_space<hbm>>
    tpu.enqueue_dma source(%dma_start3A_3 : memref<512xi32, #tpu.memory_space<hbm>>) target(%arg6 : memref<512xi32, #tpu.memory_space<vmem>>) target_semaphore(%arg9 : memref<!tpu.dma_semaphore, #tpu.memory_space<semaphore_mem>>)
    %eq3A = arith.constant 0 : i32
    %eq3A_4 = arith.cmpi eq, %arg1, %eq3A : i32
    %convert_element_type3A = arith.extui %eq3A_4 : i1 to i32
    %cond3A = arith.constant 0 : i32
    %cond3A_5 = arith.cmpi ne, %convert_element_type3A, %cond3A : i32
    scf.if %cond3A_5 {
      "tpu.region"() ({
        %run_scoped3A = tpu.sem_alloc : memref<!tpu.dma_semaphore, #tpu.memory_space<semaphore_mem>>
        tpu.enqueue_dma source(%arg3 : memref<257x128xf32, #tpu.memory_space<hbm>>) target(%arg5 : memref<257x128xf32, #tpu.memory_space<vmem_shared>>) target_semaphore(%run_scoped3A : memref<!tpu.dma_semaphore, #tpu.memory_space<semaphore_mem>>)
        tpu.wait_dma2 semaphore(%run_scoped3A : memref<!tpu.dma_semaphore, #tpu.memory_space<semaphore_mem>>) src(%arg3 : memref<257x128xf32, #tpu.memory_space<hbm>>) dst(%arg5 : memref<257x128xf32, #tpu.memory_space<vmem_shared>>)
        tpu.yield
      }) : () -> ()
    } else {
    }
    %dma_wait3A = tpu.memref_slice %arg2[%mul3A_2] : memref<16384xi32, #tpu.memory_space<hbm>> -> memref<512xi32, #tpu.memory_space<hbm>>
    %dma_wait3A_6 = tpu.memref_slice %arg2[%mul3A_2] : memref<16384xi32, #tpu.memory_space<hbm>> -> memref<512xi32, #tpu.memory_space<hbm>>
    tpu.wait_dma2 semaphore(%arg9 : memref<!tpu.dma_semaphore, #tpu.memory_space<semaphore_mem>>) src(%dma_wait3A_6 : memref<512xi32, #tpu.memory_space<hbm>>) dst(%arg6 : memref<512xi32, #tpu.memory_space<vmem>>)
    %barrier3A = arith.constant 0 : index
    tpu.barrier barrier_id(%barrier3A)
    %get3A = arith.constant 0 : index
    %get3A_7 = tpu.vector_load %arg6[%get3A] {strides = array<i32>} : memref<512xi32, #tpu.memory_space<vmem>>, vector<16xi32>,
    %get3A_8 = vector.shape_cast %get3A_7 : vector<16xi32> to vector<16xi32>
    %sub3A = arith.constant 1894 : i32
    %sub3A_9 = vector.broadcast %sub3A : i32 to vector<16xi32>
    %sub3A_10 = arith.subi %get3A_8, %sub3A_9 : vector<16xi32>
    %jit3A = arith.constant 0 : i32
    %jit3A_11 = arith.constant 256 : i32
    %max3A = vector.broadcast %jit3A : i32 to vector<16xi32>
    %max3A_12 = arith.maxsi %max3A, %sub3A_10 : vector<16xi32>
    %min3A = vector.broadcast %jit3A_11 : i32 to vector<16xi32>
    %min3A_13 = arith.minsi %min3A, %max3A_12 : vector<16xi32>
    %swap3A = arith.constant 0 : i32
    %swap3A_14 = arith.index_cast %swap3A : i32 to index
    %swap3A_15 = arith.constant 0 : index
    %swap3A_16 = tpu.vector_load %arg7[%swap3A_14, %swap3A_15] {strides = array<i32>} : memref<8x64xi32, #tpu.memory_space<vmem>>, vector<1x16xi32>,
    %swap3A_17 = vector.shape_cast %swap3A_16 : vector<1x16xi32> to vector<16xi32>
    %swap3A_18 = vector.shape_cast %min3A_13 : vector<16xi32> to vector<1x16xi32>
    tpu.vector_store %arg7[%swap3A_14, %swap3A_15], %swap3A_18 {strides = array<i32>} : memref<8x64xi32, #tpu.memory_space<vmem>>, vector<1x16xi32>,
    %get3A_19 = arith.constant 16 : index
    %get3A_20 = tpu.vector_load %arg6[%get3A_19] {strides = array<i32>} : memref<512xi32, #tpu.memory_space<vmem>>, vector<16xi32>,
    %get3A_21 = vector.shape_cast %get3A_20 : vector<16xi32> to vector<16xi32>
    %sub3A_22 = arith.constant 1894 : i32
    %sub3A_23 = vector.broadcast %sub3A_22 : i32 to vector<16xi32>
    %sub3A_24 = arith.subi %get3A_21, %sub3A_23 : vector<16xi32>
    %jit3A_25 = arith.constant 0 : i32
    %jit3A_26 = arith.constant 256 : i32
    %max3A_27 = vector.broadcast %jit3A_25 : i32 to vector<16xi32>
    %max3A_28 = arith.maxsi %max3A_27, %sub3A_24 : vector<16xi32>
    %min3A_29 = vector.broadcast %jit3A_26 : i32 to vector<16xi32>
    %min3A_30 = arith.minsi %min3A_29, %max3A_28 : vector<16xi32>
    %swap3A_31 = arith.constant 0 : i32
    %swap3A_32 = arith.index_cast %swap3A_31 : i32 to index
    %swap3A_33 = arith.constant 16 : index
    %swap3A_34 = tpu.vector_load %arg7[%swap3A_32, %swap3A_33] {strides = array<i32>} : memref<8x64xi32, #tpu.memory_space<vmem>>, vector<1x16xi32>,
    %swap3A_35 = vector.shape_cast %swap3A_34 : vector<1x16xi32> to vector<16xi32>
    %swap3A_36 = vector.shape_cast %min3A_30 : vector<16xi32> to vector<1x16xi32>
    tpu.vector_store %arg7[%swap3A_32, %swap3A_33], %swap3A_36 {strides = array<i32>} : memref<8x64xi32, #tpu.memory_space<vmem>>, vector<1x16xi32>,
    %get3A_37 = arith.constant 32 : index
    %get3A_38 = tpu.vector_load %arg6[%get3A_37] {strides = array<i32>} : memref<512xi32, #tpu.memory_space<vmem>>, vector<16xi32>,
    %get3A_39 = vector.shape_cast %get3A_38 : vector<16xi32> to vector<16xi32>
    %sub3A_40 = arith.constant 1894 : i32
    %sub3A_41 = vector.broadcast %sub3A_40 : i32 to vector<16xi32>
    %sub3A_42 = arith.subi %get3A_39, %sub3A_41 : vector<16xi32>
    %jit3A_43 = arith.constant 0 : i32
    %jit3A_44 = arith.constant 256 : i32
    %max3A_45 = vector.broadcast %jit3A_43 : i32 to vector<16xi32>
    %max3A_46 = arith.maxsi %max3A_45, %sub3A_42 : vector<16xi32>
    %min3A_47 = vector.broadcast %jit3A_44 : i32 to vector<16xi32>
    %min3A_48 = arith.minsi %min3A_47, %max3A_46 : vector<16xi32>
    %swap3A_49 = arith.constant 0 : i32
    %swap3A_50 = arith.index_cast %swap3A_49 : i32 to index
    %swap3A_51 = arith.constant 32 : index
    %swap3A_52 = tpu.vector_load %arg7[%swap3A_50, %swap3A_51] {strides = array<i32>} : memref<8x64xi32, #tpu.memory_space<vmem>>, vector<1x16xi32>,
    %swap3A_53 = vector.shape_cast %swap3A_52 : vector<1x16xi32> to vector<16xi32>
    %swap3A_54 = vector.shape_cast %min3A_48 : vector<16xi32> to vector<1x16xi32>
    tpu.vector_store %arg7[%swap3A_50, %swap3A_51], %swap3A_54 {strides = array<i32>} : memref<8x64xi32, #tpu.memory_space<vmem>>, vector<1x16xi32>,
    %get3A_55 = arith.constant 48 : index
    %get3A_56 = tpu.vector_load %arg6[%get3A_55] {strides = array<i32>} : memref<512xi32, #tpu.memory_space<vmem>>, vector<16xi32>,
    %get3A_57 = vector.shape_cast %get3A_56 : vector<16xi32> to vector<16xi32>
    %sub3A_58 = arith.constant 1894 : i32
    %sub3A_59 = vector.broadcast %sub3A_58 : i32 to vector<16xi32>
    %sub3A_60 = arith.subi %get3A_57, %sub3A_59 : vector<16xi32>
    %jit3A_61 = arith.constant 0 : i32
    %jit3A_62 = arith.constant 256 : i32
    %max3A_63 = vector.broadcast %jit3A_61 : i32 to vector<16xi32>
    %max3A_64 = arith.maxsi %max3A_63, %sub3A_60 : vector<16xi32>
    %min3A_65 = vector.broadcast %jit3A_62 : i32 to vector<16xi32>
    %min3A_66 = arith.minsi %min3A_65, %max3A_64 : vector<16xi32>
    %swap3A_67 = arith.constant 0 : i32
    %swap3A_68 = arith.index_cast %swap3A_67 : i32 to index
    %swap3A_69 = arith.constant 48 : index
    %swap3A_70 = tpu.vector_load %arg7[%swap3A_68, %swap3A_69] {strides = array<i32>} : memref<8x64xi32, #tpu.memory_space<vmem>>, vector<1x16xi32>,
    %swap3A_71 = vector.shape_cast %swap3A_70 : vector<1x16xi32> to vector<16xi32>
    %swap3A_72 = vector.shape_cast %min3A_66 : vector<16xi32> to vector<1x16xi32>
    tpu.vector_store %arg7[%swap3A_68, %swap3A_69], %swap3A_72 {strides = array<i32>} : memref<8x64xi32, #tpu.memory_space<vmem>>, vector<1x16xi32>,
    %dma_start3A_73 = arith.constant 0 : i32
    %dma_start3A_74 = arith.constant 0 : i32
    %dma_start3A_75 = arith.constant 0 : i32
    %dma_start3A_76 = tpu.memref_slice %arg8[%dma_start3A_74, %dma_start3A_75] : memref<512x128xf32, #tpu.memory_space<vmem>> -> memref<64x128xf32, #tpu.memory_space<vmem>>
    %dma_start3A_77 = arith.constant 0 : i32
    %dma_start3A_78 = tpu.memref_slice %arg7[%dma_start3A_73, %dma_start3A_77] : memref<8x64xi32, #tpu.memory_space<vmem>> -> memref<1x64xi32, #tpu.memory_space<vmem>>
    %dma_start3A_79 = tpu.memref_squeeze %dma_start3A_78 : memref<1x64xi32, #tpu.memory_space<vmem>> -> memref<64xi32, #tpu.memory_space<vmem>>
    %dma_start3A_80 = arith.constant 0 : i32
    %dma_start3A_81 = arith.constant 0 : i32
    %dma_start3A_82 = tpu.memref_slice %arg5[%dma_start3A_80, %dma_start3A_81] : memref<257x128xf32, #tpu.memory_space<vmem_shared>> -> memref<257x128xf32, #tpu.memory_space<vmem_shared>>
    tpu.enqueue_indirect_dma source(%dma_start3A_82 : memref<257x128xf32, #tpu.memory_space<vmem_shared>>) target(%dma_start3A_76 : memref<64x128xf32, #tpu.memory_space<vmem>>) offsets(%dma_start3A_79 : memref<64xi32, #tpu.memory_space<vmem>>) semaphore(%arg10 : memref<!tpu.dma_semaphore, #tpu.memory_space<semaphore_mem>>)
    %get3A_83 = arith.constant 64 : index
    %get3A_84 = tpu.vector_load %arg6[%get3A_83] {strides = array<i32>} : memref<512xi32, #tpu.memory_space<vmem>>, vector<16xi32>,
    %get3A_85 = vector.shape_cast %get3A_84 : vector<16xi32> to vector<16xi32>
    %sub3A_86 = arith.constant 1894 : i32
    %sub3A_87 = vector.broadcast %sub3A_86 : i32 to vector<16xi32>
    %sub3A_88 = arith.subi %get3A_85, %sub3A_87 : vector<16xi32>
    %jit3A_89 = arith.constant 0 : i32
    %jit3A_90 = arith.constant 256 : i32
    %max3A_91 = vector.broadcast %jit3A_89 : i32 to vector<16xi32>
    %max3A_92 = arith.maxsi %max3A_91, %sub3A_88 : vector<16xi32>
    %min3A_93 = vector.broadcast %jit3A_90 : i32 to vector<16xi32>
    %min3A_94 = arith.minsi %min3A_93, %max3A_92 : vector<16xi32>
    %swap3A_95 = arith.constant 1 : i32
    %swap3A_96 = arith.index_cast %swap3A_95 : i32 to index
    %swap3A_97 = arith.constant 0 : index
    %swap3A_98 = tpu.vector_load %arg7[%swap3A_96, %swap3A_97] {strides = array<i32>} : memref<8x64xi32, #tpu.memory_space<vmem>>, vector<1x16xi32>,
    %swap3A_99 = vector.shape_cast %swap3A_98 : vector<1x16xi32> to vector<16xi32>
    %swap3A_100 = vector.shape_cast %min3A_94 : vector<16xi32> to vector<1x16xi32>
    tpu.vector_store %arg7[%swap3A_96, %swap3A_97], %swap3A_100 {strides = array<i32>} : memref<8x64xi32, #tpu.memory_space<vmem>>, vector<1x16xi32>,
    %get3A_101 = arith.constant 80 : index
    %get3A_102 = tpu.vector_load %arg6[%get3A_101] {strides = array<i32>} : memref<512xi32, #tpu.memory_space<vmem>>, vector<16xi32>,
    %get3A_103 = vector.shape_cast %get3A_102 : vector<16xi32> to vector<16xi32>
    %sub3A_104 = arith.constant 1894 : i32
    %sub3A_105 = vector.broadcast %sub3A_104 : i32 to vector<16xi32>
    %sub3A_106 = arith.subi %get3A_103, %sub3A_105 : vector<16xi32>
    %jit3A_107 = arith.constant 0 : i32
    %jit3A_108 = arith.constant 256 : i32
    %max3A_109 = vector.broadcast %jit3A_107 : i32 to vector<16xi32>
    %max3A_110 = arith.maxsi %max3A_109, %sub3A_106 : vector<16xi32>
    %min3A_111 = vector.broadcast %jit3A_108 : i32 to vector<16xi32>
    %min3A_112 = arith.minsi %min3A_111, %max3A_110 : vector<16xi32>
    %swap3A_113 = arith.constant 1 : i32
    %swap3A_114 = arith.index_cast %swap3A_113 : i32 to index
    %swap3A_115 = arith.constant 16 : index
    %swap3A_116 = tpu.vector_load %arg7[%swap3A_114, %swap3A_115] {strides = array<i32>} : memref<8x64xi32, #tpu.memory_space<vmem>>, vector<1x16xi32>,
    %swap3A_117 = vector.shape_cast %swap3A_116 : vector<1x16xi32> to vector<16xi32>
    %swap3A_118 = vector.shape_cast %min3A_112 : vector<16xi32> to vector<1x16xi32>
    tpu.vector_store %arg7[%swap3A_114, %swap3A_115], %swap3A_118 {strides = array<i32>} : memref<8x64xi32, #tpu.memory_space<vmem>>, vector<1x16xi32>,
    %get3A_119 = arith.constant 96 : index
    %get3A_120 = tpu.vector_load %arg6[%get3A_119] {strides = array<i32>} : memref<512xi32, #tpu.memory_space<vmem>>, vector<16xi32>,
    %get3A_121 = vector.shape_cast %get3A_120 : vector<16xi32> to vector<16xi32>
    %sub3A_122 = arith.constant 1894 : i32
    %sub3A_123 = vector.broadcast %sub3A_122 : i32 to vector<16xi32>
    %sub3A_124 = arith.subi %get3A_121, %sub3A_123 : vector<16xi32>
    %jit3A_125 = arith.constant 0 : i32
    %jit3A_126 = arith.constant 256 : i32
    %max3A_127 = vector.broadcast %jit3A_125 : i32 to vector<16xi32>
    %max3A_128 = arith.maxsi %max3A_127, %sub3A_124 : vector<16xi32>
    %min3A_129 = vector.broadcast %jit3A_126 : i32 to vector<16xi32>
    %min3A_130 = arith.minsi %min3A_129, %max3A_128 : vector<16xi32>
    %swap3A_131 = arith.constant 1 : i32
    %swap3A_132 = arith.index_cast %swap3A_131 : i32 to index
    %swap3A_133 = arith.constant 32 : index
    %swap3A_134 = tpu.vector_load %arg7[%swap3A_132, %swap3A_133] {strides = array<i32>} : memref<8x64xi32, #tpu.memory_space<vmem>>, vector<1x16xi32>,
    %swap3A_135 = vector.shape_cast %swap3A_134 : vector<1x16xi32> to vector<16xi32>
    %swap3A_136 = vector.shape_cast %min3A_130 : vector<16xi32> to vector<1x16xi32>
    tpu.vector_store %arg7[%swap3A_132, %swap3A_133], %swap3A_136 {strides = array<i32>} : memref<8x64xi32, #tpu.memory_space<vmem>>, vector<1x16xi32>,
    %get3A_137 = arith.constant 112 : index
    %get3A_138 = tpu.vector_load %arg6[%get3A_137] {strides = array<i32>} : memref<512xi32, #tpu.memory_space<vmem>>, vector<16xi32>,
    %get3A_139 = vector.shape_cast %get3A_138 : vector<16xi32> to vector<16xi32>
    %sub3A_140 = arith.constant 1894 : i32
    %sub3A_141 = vector.broadcast %sub3A_140 : i32 to vector<16xi32>
    %sub3A_142 = arith.subi %get3A_139, %sub3A_141 : vector<16xi32>
    %jit3A_143 = arith.constant 0 : i32
    %jit3A_144 = arith.constant 256 : i32
    %max3A_145 = vector.broadcast %jit3A_143 : i32 to vector<16xi32>
    %max3A_146 = arith.maxsi %max3A_145, %sub3A_142 : vector<16xi32>
    %min3A_147 = vector.broadcast %jit3A_144 : i32 to vector<16xi32>
    %min3A_148 = arith.minsi %min3A_147, %max3A_146 : vector<16xi32>
    %swap3A_149 = arith.constant 1 : i32
    %swap3A_150 = arith.index_cast %swap3A_149 : i32 to index
    %swap3A_151 = arith.constant 48 : index
    %swap3A_152 = tpu.vector_load %arg7[%swap3A_150, %swap3A_151] {strides = array<i32>} : memref<8x64xi32, #tpu.memory_space<vmem>>, vector<1x16xi32>,
    %swap3A_153 = vector.shape_cast %swap3A_152 : vector<1x16xi32> to vector<16xi32>
    %swap3A_154 = vector.shape_cast %min3A_148 : vector<16xi32> to vector<1x16xi32>
    tpu.vector_store %arg7[%swap3A_150, %swap3A_151], %swap3A_154 {strides = array<i32>} : memref<8x64xi32, #tpu.memory_space<vmem>>, vector<1x16xi32>,
    %dma_start3A_155 = arith.constant 1 : i32
    %dma_start3A_156 = arith.constant 64 : i32
    %dma_start3A_157 = arith.constant 0 : i32
    %dma_start3A_158 = tpu.memref_slice %arg8[%dma_start3A_156, %dma_start3A_157] : memref<512x128xf32, #tpu.memory_space<vmem>> -> memref<64x128xf32, #tpu.memory_space<vmem>>
    %dma_start3A_159 = arith.constant 0 : i32
    %dma_start3A_160 = tpu.memref_slice %arg7[%dma_start3A_155, %dma_start3A_159] : memref<8x64xi32, #tpu.memory_space<vmem>> -> memref<1x64xi32, #tpu.memory_space<vmem>>
    %dma_start3A_161 = tpu.memref_squeeze %dma_start3A_160 : memref<1x64xi32, #tpu.memory_space<vmem>> -> memref<64xi32, #tpu.memory_space<vmem>>
    %dma_start3A_162 = arith.constant 0 : i32
    %dma_start3A_163 = arith.constant 0 : i32
    %dma_start3A_164 = tpu.memref_slice %arg5[%dma_start3A_162, %dma_start3A_163] : memref<257x128xf32, #tpu.memory_space<vmem_shared>> -> memref<257x128xf32, #tpu.memory_space<vmem_shared>>
    tpu.enqueue_indirect_dma source(%dma_start3A_164 : memref<257x128xf32, #tpu.memory_space<vmem_shared>>) target(%dma_start3A_158 : memref<64x128xf32, #tpu.memory_space<vmem>>) offsets(%dma_start3A_161 : memref<64xi32, #tpu.memory_space<vmem>>) semaphore(%arg10 : memref<!tpu.dma_semaphore, #tpu.memory_space<semaphore_mem>>)
    %get3A_165 = arith.constant 128 : index
    %get3A_166 = tpu.vector_load %arg6[%get3A_165] {strides = array<i32>} : memref<512xi32, #tpu.memory_space<vmem>>, vector<16xi32>,
    %get3A_167 = vector.shape_cast %get3A_166 : vector<16xi32> to vector<16xi32>
    %sub3A_168 = arith.constant 1894 : i32
    %sub3A_169 = vector.broadcast %sub3A_168 : i32 to vector<16xi32>
    %sub3A_170 = arith.subi %get3A_167, %sub3A_169 : vector<16xi32>
    %jit3A_171 = arith.constant 0 : i32
    %jit3A_172 = arith.constant 256 : i32
    %max3A_173 = vector.broadcast %jit3A_171 : i32 to vector<16xi32>
    %max3A_174 = arith.maxsi %max3A_173, %sub3A_170 : vector<16xi32>
    %min3A_175 = vector.broadcast %jit3A_172 : i32 to vector<16xi32>
    %min3A_176 = arith.minsi %min3A_175, %max3A_174 : vector<16xi32>
    %swap3A_177 = arith.constant 2 : i32
    %swap3A_178 = arith.index_cast %swap3A_177 : i32 to index
    %swap3A_179 = arith.constant 0 : index
    %swap3A_180 = tpu.vector_load %arg7[%swap3A_178, %swap3A_179] {strides = array<i32>} : memref<8x64xi32, #tpu.memory_space<vmem>>, vector<1x16xi32>,
    %swap3A_181 = vector.shape_cast %swap3A_180 : vector<1x16xi32> to vector<16xi32>
    %swap3A_182 = vector.shape_cast %min3A_176 : vector<16xi32> to vector<1x16xi32>
    tpu.vector_store %arg7[%swap3A_178, %swap3A_179], %swap3A_182 {strides = array<i32>} : memref<8x64xi32, #tpu.memory_space<vmem>>, vector<1x16xi32>,
    %get3A_183 = arith.constant 144 : index
    %get3A_184 = tpu.vector_load %arg6[%get3A_183] {strides = array<i32>} : memref<512xi32, #tpu.memory_space<vmem>>, vector<16xi32>,
    %get3A_185 = vector.shape_cast %get3A_184 : vector<16xi32> to vector<16xi32>
    %sub3A_186 = arith.constant 1894 : i32
    %sub3A_187 = vector.broadcast %sub3A_186 : i32 to vector<16xi32>
    %sub3A_188 = arith.subi %get3A_185, %sub3A_187 : vector<16xi32>
    %jit3A_189 = arith.constant 0 : i32
    %jit3A_190 = arith.constant 256 : i32
    %max3A_191 = vector.broadcast %jit3A_189 : i32 to vector<16xi32>
    %max3A_192 = arith.maxsi %max3A_191, %sub3A_188 : vector<16xi32>
    %min3A_193 = vector.broadcast %jit3A_190 : i32 to vector<16xi32>
    %min3A_194 = arith.minsi %min3A_193, %max3A_192 : vector<16xi32>
    %swap3A_195 = arith.constant 2 : i32
    %swap3A_196 = arith.index_cast %swap3A_195 : i32 to index
    %swap3A_197 = arith.constant 16 : index
    %swap3A_198 = tpu.vector_load %arg7[%swap3A_196, %swap3A_197] {strides = array<i32>} : memref<8x64xi32, #tpu.memory_space<vmem>>, vector<1x16xi32>,
    %swap3A_199 = vector.shape_cast %swap3A_198 : vector<1x16xi32> to vector<16xi32>
    %swap3A_200 = vector.shape_cast %min3A_194 : vector<16xi32> to vector<1x16xi32>
    tpu.vector_store %arg7[%swap3A_196, %swap3A_197], %swap3A_200 {strides = array<i32>} : memref<8x64xi32, #tpu.memory_space<vmem>>, vector<1x16xi32>,
    %get3A_201 = arith.constant 160 : index
    %get3A_202 = tpu.vector_load %arg6[%get3A_201] {strides = array<i32>} : memref<512xi32, #tpu.memory_space<vmem>>, vector<16xi32>,
    %get3A_203 = vector.shape_cast %get3A_202 : vector<16xi32> to vector<16xi32>
    %sub3A_204 = arith.constant 1894 : i32
    %sub3A_205 = vector.broadcast %sub3A_204 : i32 to vector<16xi32>
    %sub3A_206 = arith.subi %get3A_203, %sub3A_205 : vector<16xi32>
    %jit3A_207 = arith.constant 0 : i32
    %jit3A_208 = arith.constant 256 : i32
    %max3A_209 = vector.broadcast %jit3A_207 : i32 to vector<16xi32>
    %max3A_210 = arith.maxsi %max3A_209, %sub3A_206 : vector<16xi32>
    %min3A_211 = vector.broadcast %jit3A_208 : i32 to vector<16xi32>
    %min3A_212 = arith.minsi %min3A_211, %max3A_210 : vector<16xi32>
    %swap3A_213 = arith.constant 2 : i32
    %swap3A_214 = arith.index_cast %swap3A_213 : i32 to index
    %swap3A_215 = arith.constant 32 : index
    %swap3A_216 = tpu.vector_load %arg7[%swap3A_214, %swap3A_215] {strides = array<i32>} : memref<8x64xi32, #tpu.memory_space<vmem>>, vector<1x16xi32>,
    %swap3A_217 = vector.shape_cast %swap3A_216 : vector<1x16xi32> to vector<16xi32>
    %swap3A_218 = vector.shape_cast %min3A_212 : vector<16xi32> to vector<1x16xi32>
    tpu.vector_store %arg7[%swap3A_214, %swap3A_215], %swap3A_218 {strides = array<i32>} : memref<8x64xi32, #tpu.memory_space<vmem>>, vector<1x16xi32>,
    %get3A_219 = arith.constant 176 : index
    %get3A_220 = tpu.vector_load %arg6[%get3A_219] {strides = array<i32>} : memref<512xi32, #tpu.memory_space<vmem>>, vector<16xi32>,
    %get3A_221 = vector.shape_cast %get3A_220 : vector<16xi32> to vector<16xi32>
    %sub3A_222 = arith.constant 1894 : i32
    %sub3A_223 = vector.broadcast %sub3A_222 : i32 to vector<16xi32>
    %sub3A_224 = arith.subi %get3A_221, %sub3A_223 : vector<16xi32>
    %jit3A_225 = arith.constant 0 : i32
    %jit3A_226 = arith.constant 256 : i32
    %max3A_227 = vector.broadcast %jit3A_225 : i32 to vector<16xi32>
    %max3A_228 = arith.maxsi %max3A_227, %sub3A_224 : vector<16xi32>
    %min3A_229 = vector.broadcast %jit3A_226 : i32 to vector<16xi32>
    %min3A_230 = arith.minsi %min3A_229, %max3A_228 : vector<16xi32>
    %swap3A_231 = arith.constant 2 : i32
    %swap3A_232 = arith.index_cast %swap3A_231 : i32 to index
    %swap3A_233 = arith.constant 48 : index
    %swap3A_234 = tpu.vector_load %arg7[%swap3A_232, %swap3A_233] {strides = array<i32>} : memref<8x64xi32, #tpu.memory_space<vmem>>, vector<1x16xi32>,
    %swap3A_235 = vector.shape_cast %swap3A_234 : vector<1x16xi32> to vector<16xi32>
    %swap3A_236 = vector.shape_cast %min3A_230 : vector<16xi32> to vector<1x16xi32>
    tpu.vector_store %arg7[%swap3A_232, %swap3A_233], %swap3A_236 {strides = array<i32>} : memref<8x64xi32, #tpu.memory_space<vmem>>, vector<1x16xi32>,
    %dma_start3A_237 = arith.constant 2 : i32
    %dma_start3A_238 = arith.constant 128 : i32
    %dma_start3A_239 = arith.constant 0 : i32
    %dma_start3A_240 = tpu.memref_slice %arg8[%dma_start3A_238, %dma_start3A_239] : memref<512x128xf32, #tpu.memory_space<vmem>> -> memref<64x128xf32, #tpu.memory_space<vmem>>
    %dma_start3A_241 = arith.constant 0 : i32
    %dma_start3A_242 = tpu.memref_slice %arg7[%dma_start3A_237, %dma_start3A_241] : memref<8x64xi32, #tpu.memory_space<vmem>> -> memref<1x64xi32, #tpu.memory_space<vmem>>
    %dma_start3A_243 = tpu.memref_squeeze %dma_start3A_242 : memref<1x64xi32, #tpu.memory_space<vmem>> -> memref<64xi32, #tpu.memory_space<vmem>>
    %dma_start3A_244 = arith.constant 0 : i32
    %dma_start3A_245 = arith.constant 0 : i32
    %dma_start3A_246 = tpu.memref_slice %arg5[%dma_start3A_244, %dma_start3A_245] : memref<257x128xf32, #tpu.memory_space<vmem_shared>> -> memref<257x128xf32, #tpu.memory_space<vmem_shared>>
    tpu.enqueue_indirect_dma source(%dma_start3A_246 : memref<257x128xf32, #tpu.memory_space<vmem_shared>>) target(%dma_start3A_240 : memref<64x128xf32, #tpu.memory_space<vmem>>) offsets(%dma_start3A_243 : memref<64xi32, #tpu.memory_space<vmem>>) semaphore(%arg10 : memref<!tpu.dma_semaphore, #tpu.memory_space<semaphore_mem>>)
    %get3A_247 = arith.constant 192 : index
    %get3A_248 = tpu.vector_load %arg6[%get3A_247] {strides = array<i32>} : memref<512xi32, #tpu.memory_space<vmem>>, vector<16xi32>,
    %get3A_249 = vector.shape_cast %get3A_248 : vector<16xi32> to vector<16xi32>
    %sub3A_250 = arith.constant 1894 : i32
    %sub3A_251 = vector.broadcast %sub3A_250 : i32 to vector<16xi32>
    %sub3A_252 = arith.subi %get3A_249, %sub3A_251 : vector<16xi32>
    %jit3A_253 = arith.constant 0 : i32
    %jit3A_254 = arith.constant 256 : i32
    %max3A_255 = vector.broadcast %jit3A_253 : i32 to vector<16xi32>
    %max3A_256 = arith.maxsi %max3A_255, %sub3A_252 : vector<16xi32>
    %min3A_257 = vector.broadcast %jit3A_254 : i32 to vector<16xi32>
    %min3A_258 = arith.minsi %min3A_257, %max3A_256 : vector<16xi32>
    %swap3A_259 = arith.constant 3 : i32
    %swap3A_260 = arith.index_cast %swap3A_259 : i32 to index
    %swap3A_261 = arith.constant 0 : index
    %swap3A_262 = tpu.vector_load %arg7[%swap3A_260, %swap3A_261] {strides = array<i32>} : memref<8x64xi32, #tpu.memory_space<vmem>>, vector<1x16xi32>,
    %swap3A_263 = vector.shape_cast %swap3A_262 : vector<1x16xi32> to vector<16xi32>
    %swap3A_264 = vector.shape_cast %min3A_258 : vector<16xi32> to vector<1x16xi32>
    tpu.vector_store %arg7[%swap3A_260, %swap3A_261], %swap3A_264 {strides = array<i32>} : memref<8x64xi32, #tpu.memory_space<vmem>>, vector<1x16xi32>,
    %get3A_265 = arith.constant 208 : index
    %get3A_266 = tpu.vector_load %arg6[%get3A_265] {strides = array<i32>} : memref<512xi32, #tpu.memory_space<vmem>>, vector<16xi32>,
    %get3A_267 = vector.shape_cast %get3A_266 : vector<16xi32> to vector<16xi32>
    %sub3A_268 = arith.constant 1894 : i32
    %sub3A_269 = vector.broadcast %sub3A_268 : i32 to vector<16xi32>
    %sub3A_270 = arith.subi %get3A_267, %sub3A_269 : vector<16xi32>
    %jit3A_271 = arith.constant 0 : i32
    %jit3A_272 = arith.constant 256 : i32
    %max3A_273 = vector.broadcast %jit3A_271 : i32 to vector<16xi32>
    %max3A_274 = arith.maxsi %max3A_273, %sub3A_270 : vector<16xi32>
    %min3A_275 = vector.broadcast %jit3A_272 : i32 to vector<16xi32>
    %min3A_276 = arith.minsi %min3A_275, %max3A_274 : vector<16xi32>
    %swap3A_277 = arith.constant 3 : i32
    %swap3A_278 = arith.index_cast %swap3A_277 : i32 to index
    %swap3A_279 = arith.constant 16 : index
    %swap3A_280 = tpu.vector_load %arg7[%swap3A_278, %swap3A_279] {strides = array<i32>} : memref<8x64xi32, #tpu.memory_space<vmem>>, vector<1x16xi32>,
    %swap3A_281 = vector.shape_cast %swap3A_280 : vector<1x16xi32> to vector<16xi32>
    %swap3A_282 = vector.shape_cast %min3A_276 : vector<16xi32> to vector<1x16xi32>
    tpu.vector_store %arg7[%swap3A_278, %swap3A_279], %swap3A_282 {strides = array<i32>} : memref<8x64xi32, #tpu.memory_space<vmem>>, vector<1x16xi32>,
    %get3A_283 = arith.constant 224 : index
    %get3A_284 = tpu.vector_load %arg6[%get3A_283] {strides = array<i32>} : memref<512xi32, #tpu.memory_space<vmem>>, vector<16xi32>,
    %get3A_285 = vector.shape_cast %get3A_284 : vector<16xi32> to vector<16xi32>
    %sub3A_286 = arith.constant 1894 : i32
    %sub3A_287 = vector.broadcast %sub3A_286 : i32 to vector<16xi32>
    %sub3A_288 = arith.subi %get3A_285, %sub3A_287 : vector<16xi32>
    %jit3A_289 = arith.constant 0 : i32
    %jit3A_290 = arith.constant 256 : i32
    %max3A_291 = vector.broadcast %jit3A_289 : i32 to vector<16xi32>
    %max3A_292 = arith.maxsi %max3A_291, %sub3A_288 : vector<16xi32>
    %min3A_293 = vector.broadcast %jit3A_290 : i32 to vector<16xi32>
    %min3A_294 = arith.minsi %min3A_293, %max3A_292 : vector<16xi32>
    %swap3A_295 = arith.constant 3 : i32
    %swap3A_296 = arith.index_cast %swap3A_295 : i32 to index
    %swap3A_297 = arith.constant 32 : index
    %swap3A_298 = tpu.vector_load %arg7[%swap3A_296, %swap3A_297] {strides = array<i32>} : memref<8x64xi32, #tpu.memory_space<vmem>>, vector<1x16xi32>,
    %swap3A_299 = vector.shape_cast %swap3A_298 : vector<1x16xi32> to vector<16xi32>
    %swap3A_300 = vector.shape_cast %min3A_294 : vector<16xi32> to vector<1x16xi32>
    tpu.vector_store %arg7[%swap3A_296, %swap3A_297], %swap3A_300 {strides = array<i32>} : memref<8x64xi32, #tpu.memory_space<vmem>>, vector<1x16xi32>,
    %get3A_301 = arith.constant 240 : index
    %get3A_302 = tpu.vector_load %arg6[%get3A_301] {strides = array<i32>} : memref<512xi32, #tpu.memory_space<vmem>>, vector<16xi32>,
    %get3A_303 = vector.shape_cast %get3A_302 : vector<16xi32> to vector<16xi32>
    %sub3A_304 = arith.constant 1894 : i32
    %sub3A_305 = vector.broadcast %sub3A_304 : i32 to vector<16xi32>
    %sub3A_306 = arith.subi %get3A_303, %sub3A_305 : vector<16xi32>
    %jit3A_307 = arith.constant 0 : i32
    %jit3A_308 = arith.constant 256 : i32
    %max3A_309 = vector.broadcast %jit3A_307 : i32 to vector<16xi32>
    %max3A_310 = arith.maxsi %max3A_309, %sub3A_306 : vector<16xi32>
    %min3A_311 = vector.broadcast %jit3A_308 : i32 to vector<16xi32>
    %min3A_312 = arith.minsi %min3A_311, %max3A_310 : vector<16xi32>
    %swap3A_313 = arith.constant 3 : i32
    %swap3A_314 = arith.index_cast %swap3A_313 : i32 to index
    %swap3A_315 = arith.constant 48 : index
    %swap3A_316 = tpu.vector_load %arg7[%swap3A_314, %swap3A_315] {strides = array<i32>} : memref<8x64xi32, #tpu.memory_space<vmem>>, vector<1x16xi32>,
    %swap3A_317 = vector.shape_cast %swap3A_316 : vector<1x16xi32> to vector<16xi32>
    %swap3A_318 = vector.shape_cast %min3A_312 : vector<16xi32> to vector<1x16xi32>
    tpu.vector_store %arg7[%swap3A_314, %swap3A_315], %swap3A_318 {strides = array<i32>} : memref<8x64xi32, #tpu.memory_space<vmem>>, vector<1x16xi32>,
    %dma_start3A_319 = arith.constant 3 : i32
    %dma_start3A_320 = arith.constant 192 : i32
    %dma_start3A_321 = arith.constant 0 : i32
    %dma_start3A_322 = tpu.memref_slice %arg8[%dma_start3A_320, %dma_start3A_321] : memref<512x128xf32, #tpu.memory_space<vmem>> -> memref<64x128xf32, #tpu.memory_space<vmem>>
    %dma_start3A_323 = arith.constant 0 : i32
    %dma_start3A_324 = tpu.memref_slice %arg7[%dma_start3A_319, %dma_start3A_323] : memref<8x64xi32, #tpu.memory_space<vmem>> -> memref<1x64xi32, #tpu.memory_space<vmem>>
    %dma_start3A_325 = tpu.memref_squeeze %dma_start3A_324 : memref<1x64xi32, #tpu.memory_space<vmem>> -> memref<64xi32, #tpu.memory_space<vmem>>
    %dma_start3A_326 = arith.constant 0 : i32
    %dma_start3A_327 = arith.constant 0 : i32
    %dma_start3A_328 = tpu.memref_slice %arg5[%dma_start3A_326, %dma_start3A_327] : memref<257x128xf32, #tpu.memory_space<vmem_shared>> -> memref<257x128xf32, #tpu.memory_space<vmem_shared>>
    tpu.enqueue_indirect_dma source(%dma_start3A_328 : memref<257x128xf32, #tpu.memory_space<vmem_shared>>) target(%dma_start3A_322 : memref<64x128xf32, #tpu.memory_space<vmem>>) offsets(%dma_start3A_325 : memref<64xi32, #tpu.memory_space<vmem>>) semaphore(%arg10 : memref<!tpu.dma_semaphore, #tpu.memory_space<semaphore_mem>>)
    %get3A_329 = arith.constant 256 : index
    %get3A_330 = tpu.vector_load %arg6[%get3A_329] {strides = array<i32>} : memref<512xi32, #tpu.memory_space<vmem>>, vector<16xi32>,
    %get3A_331 = vector.shape_cast %get3A_330 : vector<16xi32> to vector<16xi32>
    %sub3A_332 = arith.constant 1894 : i32
    %sub3A_333 = vector.broadcast %sub3A_332 : i32 to vector<16xi32>
    %sub3A_334 = arith.subi %get3A_331, %sub3A_333 : vector<16xi32>
    %jit3A_335 = arith.constant 0 : i32
    %jit3A_336 = arith.constant 256 : i32
    %max3A_337 = vector.broadcast %jit3A_335 : i32 to vector<16xi32>
    %max3A_338 = arith.maxsi %max3A_337, %sub3A_334 : vector<16xi32>
    %min3A_339 = vector.broadcast %jit3A_336 : i32 to vector<16xi32>
    %min3A_340 = arith.minsi %min3A_339, %max3A_338 : vector<16xi32>
    %swap3A_341 = arith.constant 4 : i32
    %swap3A_342 = arith.index_cast %swap3A_341 : i32 to index
    %swap3A_343 = arith.constant 0 : index
    %swap3A_344 = tpu.vector_load %arg7[%swap3A_342, %swap3A_343] {strides = array<i32>} : memref<8x64xi32, #tpu.memory_space<vmem>>, vector<1x16xi32>,
    %swap3A_345 = vector.shape_cast %swap3A_344 : vector<1x16xi32> to vector<16xi32>
    %swap3A_346 = vector.shape_cast %min3A_340 : vector<16xi32> to vector<1x16xi32>
    tpu.vector_store %arg7[%swap3A_342, %swap3A_343], %swap3A_346 {strides = array<i32>} : memref<8x64xi32, #tpu.memory_space<vmem>>, vector<1x16xi32>,
    %get3A_347 = arith.constant 272 : index
    %get3A_348 = tpu.vector_load %arg6[%get3A_347] {strides = array<i32>} : memref<512xi32, #tpu.memory_space<vmem>>, vector<16xi32>,
    %get3A_349 = vector.shape_cast %get3A_348 : vector<16xi32> to vector<16xi32>
    %sub3A_350 = arith.constant 1894 : i32
    %sub3A_351 = vector.broadcast %sub3A_350 : i32 to vector<16xi32>
    %sub3A_352 = arith.subi %get3A_349, %sub3A_351 : vector<16xi32>
    %jit3A_353 = arith.constant 0 : i32
    %jit3A_354 = arith.constant 256 : i32
    %max3A_355 = vector.broadcast %jit3A_353 : i32 to vector<16xi32>
    %max3A_356 = arith.maxsi %max3A_355, %sub3A_352 : vector<16xi32>
    %min3A_357 = vector.broadcast %jit3A_354 : i32 to vector<16xi32>
    %min3A_358 = arith.minsi %min3A_357, %max3A_356 : vector<16xi32>
    %swap3A_359 = arith.constant 4 : i32
    %swap3A_360 = arith.index_cast %swap3A_359 : i32 to index
    %swap3A_361 = arith.constant 16 : index
    %swap3A_362 = tpu.vector_load %arg7[%swap3A_360, %swap3A_361] {strides = array<i32>} : memref<8x64xi32, #tpu.memory_space<vmem>>, vector<1x16xi32>,
    %swap3A_363 = vector.shape_cast %swap3A_362 : vector<1x16xi32> to vector<16xi32>
    %swap3A_364 = vector.shape_cast %min3A_358 : vector<16xi32> to vector<1x16xi32>
    tpu.vector_store %arg7[%swap3A_360, %swap3A_361], %swap3A_364 {strides = array<i32>} : memref<8x64xi32, #tpu.memory_space<vmem>>, vector<1x16xi32>,
    %get3A_365 = arith.constant 288 : index
    %get3A_366 = tpu.vector_load %arg6[%get3A_365] {strides = array<i32>} : memref<512xi32, #tpu.memory_space<vmem>>, vector<16xi32>,
    %get3A_367 = vector.shape_cast %get3A_366 : vector<16xi32> to vector<16xi32>
    %sub3A_368 = arith.constant 1894 : i32
    %sub3A_369 = vector.broadcast %sub3A_368 : i32 to vector<16xi32>
    %sub3A_370 = arith.subi %get3A_367, %sub3A_369 : vector<16xi32>
    %jit3A_371 = arith.constant 0 : i32
    %jit3A_372 = arith.constant 256 : i32
    %max3A_373 = vector.broadcast %jit3A_371 : i32 to vector<16xi32>
    %max3A_374 = arith.maxsi %max3A_373, %sub3A_370 : vector<16xi32>
    %min3A_375 = vector.broadcast %jit3A_372 : i32 to vector<16xi32>
    %min3A_376 = arith.minsi %min3A_375, %max3A_374 : vector<16xi32>
    %swap3A_377 = arith.constant 4 : i32
    %swap3A_378 = arith.index_cast %swap3A_377 : i32 to index
    %swap3A_379 = arith.constant 32 : index
    %swap3A_380 = tpu.vector_load %arg7[%swap3A_378, %swap3A_379] {strides = array<i32>} : memref<8x64xi32, #tpu.memory_space<vmem>>, vector<1x16xi32>,
    %swap3A_381 = vector.shape_cast %swap3A_380 : vector<1x16xi32> to vector<16xi32>
    %swap3A_382 = vector.shape_cast %min3A_376 : vector<16xi32> to vector<1x16xi32>
    tpu.vector_store %arg7[%swap3A_378, %swap3A_379], %swap3A_382 {strides = array<i32>} : memref<8x64xi32, #tpu.memory_space<vmem>>, vector<1x16xi32>,
    %get3A_383 = arith.constant 304 : index
    %get3A_384 = tpu.vector_load %arg6[%get3A_383] {strides = array<i32>} : memref<512xi32, #tpu.memory_space<vmem>>, vector<16xi32>,
    %get3A_385 = vector.shape_cast %get3A_384 : vector<16xi32> to vector<16xi32>
    %sub3A_386 = arith.constant 1894 : i32
    %sub3A_387 = vector.broadcast %sub3A_386 : i32 to vector<16xi32>
    %sub3A_388 = arith.subi %get3A_385, %sub3A_387 : vector<16xi32>
    %jit3A_389 = arith.constant 0 : i32
    %jit3A_390 = arith.constant 256 : i32
    %max3A_391 = vector.broadcast %jit3A_389 : i32 to vector<16xi32>
    %max3A_392 = arith.maxsi %max3A_391, %sub3A_388 : vector<16xi32>
    %min3A_393 = vector.broadcast %jit3A_390 : i32 to vector<16xi32>
    %min3A_394 = arith.minsi %min3A_393, %max3A_392 : vector<16xi32>
    %swap3A_395 = arith.constant 4 : i32
    %swap3A_396 = arith.index_cast %swap3A_395 : i32 to index
    %swap3A_397 = arith.constant 48 : index
    %swap3A_398 = tpu.vector_load %arg7[%swap3A_396, %swap3A_397] {strides = array<i32>} : memref<8x64xi32, #tpu.memory_space<vmem>>, vector<1x16xi32>,
    %swap3A_399 = vector.shape_cast %swap3A_398 : vector<1x16xi32> to vector<16xi32>
    %swap3A_400 = vector.shape_cast %min3A_394 : vector<16xi32> to vector<1x16xi32>
    tpu.vector_store %arg7[%swap3A_396, %swap3A_397], %swap3A_400 {strides = array<i32>} : memref<8x64xi32, #tpu.memory_space<vmem>>, vector<1x16xi32>,
    %dma_start3A_401 = arith.constant 4 : i32
    %dma_start3A_402 = arith.constant 256 : i32
    %dma_start3A_403 = arith.constant 0 : i32
    %dma_start3A_404 = tpu.memref_slice %arg8[%dma_start3A_402, %dma_start3A_403] : memref<512x128xf32, #tpu.memory_space<vmem>> -> memref<64x128xf32, #tpu.memory_space<vmem>>
    %dma_start3A_405 = arith.constant 0 : i32
    %dma_start3A_406 = tpu.memref_slice %arg7[%dma_start3A_401, %dma_start3A_405] : memref<8x64xi32, #tpu.memory_space<vmem>> -> memref<1x64xi32, #tpu.memory_space<vmem>>
    %dma_start3A_407 = tpu.memref_squeeze %dma_start3A_406 : memref<1x64xi32, #tpu.memory_space<vmem>> -> memref<64xi32, #tpu.memory_space<vmem>>
    %dma_start3A_408 = arith.constant 0 : i32
    %dma_start3A_409 = arith.constant 0 : i32
    %dma_start3A_410 = tpu.memref_slice %arg5[%dma_start3A_408, %dma_start3A_409] : memref<257x128xf32, #tpu.memory_space<vmem_shared>> -> memref<257x128xf32, #tpu.memory_space<vmem_shared>>
    tpu.enqueue_indirect_dma source(%dma_start3A_410 : memref<257x128xf32, #tpu.memory_space<vmem_shared>>) target(%dma_start3A_404 : memref<64x128xf32, #tpu.memory_space<vmem>>) offsets(%dma_start3A_407 : memref<64xi32, #tpu.memory_space<vmem>>) semaphore(%arg10 : memref<!tpu.dma_semaphore, #tpu.memory_space<semaphore_mem>>)
    %get3A_411 = arith.constant 320 : index
    %get3A_412 = tpu.vector_load %arg6[%get3A_411] {strides = array<i32>} : memref<512xi32, #tpu.memory_space<vmem>>, vector<16xi32>,
    %get3A_413 = vector.shape_cast %get3A_412 : vector<16xi32> to vector<16xi32>
    %sub3A_414 = arith.constant 1894 : i32
    %sub3A_415 = vector.broadcast %sub3A_414 : i32 to vector<16xi32>
    %sub3A_416 = arith.subi %get3A_413, %sub3A_415 : vector<16xi32>
    %jit3A_417 = arith.constant 0 : i32
    %jit3A_418 = arith.constant 256 : i32
    %max3A_419 = vector.broadcast %jit3A_417 : i32 to vector<16xi32>
    %max3A_420 = arith.maxsi %max3A_419, %sub3A_416 : vector<16xi32>
    %min3A_421 = vector.broadcast %jit3A_418 : i32 to vector<16xi32>
    %min3A_422 = arith.minsi %min3A_421, %max3A_420 : vector<16xi32>
    %swap3A_423 = arith.constant 5 : i32
    %swap3A_424 = arith.index_cast %swap3A_423 : i32 to index
    %swap3A_425 = arith.constant 0 : index
    %swap3A_426 = tpu.vector_load %arg7[%swap3A_424, %swap3A_425] {strides = array<i32>} : memref<8x64xi32, #tpu.memory_space<vmem>>, vector<1x16xi32>,
    %swap3A_427 = vector.shape_cast %swap3A_426 : vector<1x16xi32> to vector<16xi32>
    %swap3A_428 = vector.shape_cast %min3A_422 : vector<16xi32> to vector<1x16xi32>
    tpu.vector_store %arg7[%swap3A_424, %swap3A_425], %swap3A_428 {strides = array<i32>} : memref<8x64xi32, #tpu.memory_space<vmem>>, vector<1x16xi32>,
    %get3A_429 = arith.constant 336 : index
    %get3A_430 = tpu.vector_load %arg6[%get3A_429] {strides = array<i32>} : memref<512xi32, #tpu.memory_space<vmem>>, vector<16xi32>,
    %get3A_431 = vector.shape_cast %get3A_430 : vector<16xi32> to vector<16xi32>
    %sub3A_432 = arith.constant 1894 : i32
    %sub3A_433 = vector.broadcast %sub3A_432 : i32 to vector<16xi32>
    %sub3A_434 = arith.subi %get3A_431, %sub3A_433 : vector<16xi32>
    %jit3A_435 = arith.constant 0 : i32
    %jit3A_436 = arith.constant 256 : i32
    %max3A_437 = vector.broadcast %jit3A_435 : i32 to vector<16xi32>
    %max3A_438 = arith.maxsi %max3A_437, %sub3A_434 : vector<16xi32>
    %min3A_439 = vector.broadcast %jit3A_436 : i32 to vector<16xi32>
    %min3A_440 = arith.minsi %min3A_439, %max3A_438 : vector<16xi32>
    %swap3A_441 = arith.constant 5 : i32
    %swap3A_442 = arith.index_cast %swap3A_441 : i32 to index
    %swap3A_443 = arith.constant 16 : index
    %swap3A_444 = tpu.vector_load %arg7[%swap3A_442, %swap3A_443] {strides = array<i32>} : memref<8x64xi32, #tpu.memory_space<vmem>>, vector<1x16xi32>,
    %swap3A_445 = vector.shape_cast %swap3A_444 : vector<1x16xi32> to vector<16xi32>
    %swap3A_446 = vector.shape_cast %min3A_440 : vector<16xi32> to vector<1x16xi32>
    tpu.vector_store %arg7[%swap3A_442, %swap3A_443], %swap3A_446 {strides = array<i32>} : memref<8x64xi32, #tpu.memory_space<vmem>>, vector<1x16xi32>,
    %get3A_447 = arith.constant 352 : index
    %get3A_448 = tpu.vector_load %arg6[%get3A_447] {strides = array<i32>} : memref<512xi32, #tpu.memory_space<vmem>>, vector<16xi32>,
    %get3A_449 = vector.shape_cast %get3A_448 : vector<16xi32> to vector<16xi32>
    %sub3A_450 = arith.constant 1894 : i32
    %sub3A_451 = vector.broadcast %sub3A_450 : i32 to vector<16xi32>
    %sub3A_452 = arith.subi %get3A_449, %sub3A_451 : vector<16xi32>
    %jit3A_453 = arith.constant 0 : i32
    %jit3A_454 = arith.constant 256 : i32
    %max3A_455 = vector.broadcast %jit3A_453 : i32 to vector<16xi32>
    %max3A_456 = arith.maxsi %max3A_455, %sub3A_452 : vector<16xi32>
    %min3A_457 = vector.broadcast %jit3A_454 : i32 to vector<16xi32>
    %min3A_458 = arith.minsi %min3A_457, %max3A_456 : vector<16xi32>
    %swap3A_459 = arith.constant 5 : i32
    %swap3A_460 = arith.index_cast %swap3A_459 : i32 to index
    %swap3A_461 = arith.constant 32 : index
    %swap3A_462 = tpu.vector_load %arg7[%swap3A_460, %swap3A_461] {strides = array<i32>} : memref<8x64xi32, #tpu.memory_space<vmem>>, vector<1x16xi32>,
    %swap3A_463 = vector.shape_cast %swap3A_462 : vector<1x16xi32> to vector<16xi32>
    %swap3A_464 = vector.shape_cast %min3A_458 : vector<16xi32> to vector<1x16xi32>
    tpu.vector_store %arg7[%swap3A_460, %swap3A_461], %swap3A_464 {strides = array<i32>} : memref<8x64xi32, #tpu.memory_space<vmem>>, vector<1x16xi32>,
    %get3A_465 = arith.constant 368 : index
    %get3A_466 = tpu.vector_load %arg6[%get3A_465] {strides = array<i32>} : memref<512xi32, #tpu.memory_space<vmem>>, vector<16xi32>,
    %get3A_467 = vector.shape_cast %get3A_466 : vector<16xi32> to vector<16xi32>
    %sub3A_468 = arith.constant 1894 : i32
    %sub3A_469 = vector.broadcast %sub3A_468 : i32 to vector<16xi32>
    %sub3A_470 = arith.subi %get3A_467, %sub3A_469 : vector<16xi32>
    %jit3A_471 = arith.constant 0 : i32
    %jit3A_472 = arith.constant 256 : i32
    %max3A_473 = vector.broadcast %jit3A_471 : i32 to vector<16xi32>
    %max3A_474 = arith.maxsi %max3A_473, %sub3A_470 : vector<16xi32>
    %min3A_475 = vector.broadcast %jit3A_472 : i32 to vector<16xi32>
    %min3A_476 = arith.minsi %min3A_475, %max3A_474 : vector<16xi32>
    %swap3A_477 = arith.constant 5 : i32
    %swap3A_478 = arith.index_cast %swap3A_477 : i32 to index
    %swap3A_479 = arith.constant 48 : index
    %swap3A_480 = tpu.vector_load %arg7[%swap3A_478, %swap3A_479] {strides = array<i32>} : memref<8x64xi32, #tpu.memory_space<vmem>>, vector<1x16xi32>,
    %swap3A_481 = vector.shape_cast %swap3A_480 : vector<1x16xi32> to vector<16xi32>
    %swap3A_482 = vector.shape_cast %min3A_476 : vector<16xi32> to vector<1x16xi32>
    tpu.vector_store %arg7[%swap3A_478, %swap3A_479], %swap3A_482 {strides = array<i32>} : memref<8x64xi32, #tpu.memory_space<vmem>>, vector<1x16xi32>,
    %dma_start3A_483 = arith.constant 5 : i32
    %dma_start3A_484 = arith.constant 320 : i32
    %dma_start3A_485 = arith.constant 0 : i32
    %dma_start3A_486 = tpu.memref_slice %arg8[%dma_start3A_484, %dma_start3A_485] : memref<512x128xf32, #tpu.memory_space<vmem>> -> memref<64x128xf32, #tpu.memory_space<vmem>>
    %dma_start3A_487 = arith.constant 0 : i32
    %dma_start3A_488 = tpu.memref_slice %arg7[%dma_start3A_483, %dma_start3A_487] : memref<8x64xi32, #tpu.memory_space<vmem>> -> memref<1x64xi32, #tpu.memory_space<vmem>>
    %dma_start3A_489 = tpu.memref_squeeze %dma_start3A_488 : memref<1x64xi32, #tpu.memory_space<vmem>> -> memref<64xi32, #tpu.memory_space<vmem>>
    %dma_start3A_490 = arith.constant 0 : i32
    %dma_start3A_491 = arith.constant 0 : i32
    %dma_start3A_492 = tpu.memref_slice %arg5[%dma_start3A_490, %dma_start3A_491] : memref<257x128xf32, #tpu.memory_space<vmem_shared>> -> memref<257x128xf32, #tpu.memory_space<vmem_shared>>
    tpu.enqueue_indirect_dma source(%dma_start3A_492 : memref<257x128xf32, #tpu.memory_space<vmem_shared>>) target(%dma_start3A_486 : memref<64x128xf32, #tpu.memory_space<vmem>>) offsets(%dma_start3A_489 : memref<64xi32, #tpu.memory_space<vmem>>) semaphore(%arg10 : memref<!tpu.dma_semaphore, #tpu.memory_space<semaphore_mem>>)
    %get3A_493 = arith.constant 384 : index
    %get3A_494 = tpu.vector_load %arg6[%get3A_493] {strides = array<i32>} : memref<512xi32, #tpu.memory_space<vmem>>, vector<16xi32>,
    %get3A_495 = vector.shape_cast %get3A_494 : vector<16xi32> to vector<16xi32>
    %sub3A_496 = arith.constant 1894 : i32
    %sub3A_497 = vector.broadcast %sub3A_496 : i32 to vector<16xi32>
    %sub3A_498 = arith.subi %get3A_495, %sub3A_497 : vector<16xi32>
    %jit3A_499 = arith.constant 0 : i32
    %jit3A_500 = arith.constant 256 : i32
    %max3A_501 = vector.broadcast %jit3A_499 : i32 to vector<16xi32>
    %max3A_502 = arith.maxsi %max3A_501, %sub3A_498 : vector<16xi32>
    %min3A_503 = vector.broadcast %jit3A_500 : i32 to vector<16xi32>
    %min3A_504 = arith.minsi %min3A_503, %max3A_502 : vector<16xi32>
    %swap3A_505 = arith.constant 6 : i32
    %swap3A_506 = arith.index_cast %swap3A_505 : i32 to index
    %swap3A_507 = arith.constant 0 : index
    %swap3A_508 = tpu.vector_load %arg7[%swap3A_506, %swap3A_507] {strides = array<i32>} : memref<8x64xi32, #tpu.memory_space<vmem>>, vector<1x16xi32>,
    %swap3A_509 = vector.shape_cast %swap3A_508 : vector<1x16xi32> to vector<16xi32>
    %swap3A_510 = vector.shape_cast %min3A_504 : vector<16xi32> to vector<1x16xi32>
    tpu.vector_store %arg7[%swap3A_506, %swap3A_507], %swap3A_510 {strides = array<i32>} : memref<8x64xi32, #tpu.memory_space<vmem>>, vector<1x16xi32>,
    %get3A_511 = arith.constant 400 : index
    %get3A_512 = tpu.vector_load %arg6[%get3A_511] {strides = array<i32>} : memref<512xi32, #tpu.memory_space<vmem>>, vector<16xi32>,
    %get3A_513 = vector.shape_cast %get3A_512 : vector<16xi32> to vector<16xi32>
    %sub3A_514 = arith.constant 1894 : i32
    %sub3A_515 = vector.broadcast %sub3A_514 : i32 to vector<16xi32>
    %sub3A_516 = arith.subi %get3A_513, %sub3A_515 : vector<16xi32>
    %jit3A_517 = arith.constant 0 : i32
    %jit3A_518 = arith.constant 256 : i32
    %max3A_519 = vector.broadcast %jit3A_517 : i32 to vector<16xi32>
    %max3A_520 = arith.maxsi %max3A_519, %sub3A_516 : vector<16xi32>
    %min3A_521 = vector.broadcast %jit3A_518 : i32 to vector<16xi32>
    %min3A_522 = arith.minsi %min3A_521, %max3A_520 : vector<16xi32>
    %swap3A_523 = arith.constant 6 : i32
    %swap3A_524 = arith.index_cast %swap3A_523 : i32 to index
    %swap3A_525 = arith.constant 16 : index
    %swap3A_526 = tpu.vector_load %arg7[%swap3A_524, %swap3A_525] {strides = array<i32>} : memref<8x64xi32, #tpu.memory_space<vmem>>, vector<1x16xi32>,
    %swap3A_527 = vector.shape_cast %swap3A_526 : vector<1x16xi32> to vector<16xi32>
    %swap3A_528 = vector.shape_cast %min3A_522 : vector<16xi32> to vector<1x16xi32>
    tpu.vector_store %arg7[%swap3A_524, %swap3A_525], %swap3A_528 {strides = array<i32>} : memref<8x64xi32, #tpu.memory_space<vmem>>, vector<1x16xi32>,
    %get3A_529 = arith.constant 416 : index
    %get3A_530 = tpu.vector_load %arg6[%get3A_529] {strides = array<i32>} : memref<512xi32, #tpu.memory_space<vmem>>, vector<16xi32>,
    %get3A_531 = vector.shape_cast %get3A_530 : vector<16xi32> to vector<16xi32>
    %sub3A_532 = arith.constant 1894 : i32
    %sub3A_533 = vector.broadcast %sub3A_532 : i32 to vector<16xi32>
    %sub3A_534 = arith.subi %get3A_531, %sub3A_533 : vector<16xi32>
    %jit3A_535 = arith.constant 0 : i32
    %jit3A_536 = arith.constant 256 : i32
    %max3A_537 = vector.broadcast %jit3A_535 : i32 to vector<16xi32>
    %max3A_538 = arith.maxsi %max3A_537, %sub3A_534 : vector<16xi32>
    %min3A_539 = vector.broadcast %jit3A_536 : i32 to vector<16xi32>
    %min3A_540 = arith.minsi %min3A_539, %max3A_538 : vector<16xi32>
    %swap3A_541 = arith.constant 6 : i32
    %swap3A_542 = arith.index_cast %swap3A_541 : i32 to index
    %swap3A_543 = arith.constant 32 : index
    %swap3A_544 = tpu.vector_load %arg7[%swap3A_542, %swap3A_543] {strides = array<i32>} : memref<8x64xi32, #tpu.memory_space<vmem>>, vector<1x16xi32>,
    %swap3A_545 = vector.shape_cast %swap3A_544 : vector<1x16xi32> to vector<16xi32>
    %swap3A_546 = vector.shape_cast %min3A_540 : vector<16xi32> to vector<1x16xi32>
    tpu.vector_store %arg7[%swap3A_542, %swap3A_543], %swap3A_546 {strides = array<i32>} : memref<8x64xi32, #tpu.memory_space<vmem>>, vector<1x16xi32>,
    %get3A_547 = arith.constant 432 : index
    %get3A_548 = tpu.vector_load %arg6[%get3A_547] {strides = array<i32>} : memref<512xi32, #tpu.memory_space<vmem>>, vector<16xi32>,
    %get3A_549 = vector.shape_cast %get3A_548 : vector<16xi32> to vector<16xi32>
    %sub3A_550 = arith.constant 1894 : i32
    %sub3A_551 = vector.broadcast %sub3A_550 : i32 to vector<16xi32>
    %sub3A_552 = arith.subi %get3A_549, %sub3A_551 : vector<16xi32>
    %jit3A_553 = arith.constant 0 : i32
    %jit3A_554 = arith.constant 256 : i32
    %max3A_555 = vector.broadcast %jit3A_553 : i32 to vector<16xi32>
    %max3A_556 = arith.maxsi %max3A_555, %sub3A_552 : vector<16xi32>
    %min3A_557 = vector.broadcast %jit3A_554 : i32 to vector<16xi32>
    %min3A_558 = arith.minsi %min3A_557, %max3A_556 : vector<16xi32>
    %swap3A_559 = arith.constant 6 : i32
    %swap3A_560 = arith.index_cast %swap3A_559 : i32 to index
    %swap3A_561 = arith.constant 48 : index
    %swap3A_562 = tpu.vector_load %arg7[%swap3A_560, %swap3A_561] {strides = array<i32>} : memref<8x64xi32, #tpu.memory_space<vmem>>, vector<1x16xi32>,
    %swap3A_563 = vector.shape_cast %swap3A_562 : vector<1x16xi32> to vector<16xi32>
    %swap3A_564 = vector.shape_cast %min3A_558 : vector<16xi32> to vector<1x16xi32>
    tpu.vector_store %arg7[%swap3A_560, %swap3A_561], %swap3A_564 {strides = array<i32>} : memref<8x64xi32, #tpu.memory_space<vmem>>, vector<1x16xi32>,
    %dma_start3A_565 = arith.constant 6 : i32
    %dma_start3A_566 = arith.constant 384 : i32
    %dma_start3A_567 = arith.constant 0 : i32
    %dma_start3A_568 = tpu.memref_slice %arg8[%dma_start3A_566, %dma_start3A_567] : memref<512x128xf32, #tpu.memory_space<vmem>> -> memref<64x128xf32, #tpu.memory_space<vmem>>
    %dma_start3A_569 = arith.constant 0 : i32
    %dma_start3A_570 = tpu.memref_slice %arg7[%dma_start3A_565, %dma_start3A_569] : memref<8x64xi32, #tpu.memory_space<vmem>> -> memref<1x64xi32, #tpu.memory_space<vmem>>
    %dma_start3A_571 = tpu.memref_squeeze %dma_start3A_570 : memref<1x64xi32, #tpu.memory_space<vmem>> -> memref<64xi32, #tpu.memory_space<vmem>>
    %dma_start3A_572 = arith.constant 0 : i32
    %dma_start3A_573 = arith.constant 0 : i32
    %dma_start3A_574 = tpu.memref_slice %arg5[%dma_start3A_572, %dma_start3A_573] : memref<257x128xf32, #tpu.memory_space<vmem_shared>> -> memref<257x128xf32, #tpu.memory_space<vmem_shared>>
    tpu.enqueue_indirect_dma source(%dma_start3A_574 : memref<257x128xf32, #tpu.memory_space<vmem_shared>>) target(%dma_start3A_568 : memref<64x128xf32, #tpu.memory_space<vmem>>) offsets(%dma_start3A_571 : memref<64xi32, #tpu.memory_space<vmem>>) semaphore(%arg10 : memref<!tpu.dma_semaphore, #tpu.memory_space<semaphore_mem>>)
    %get3A_575 = arith.constant 448 : index
    %get3A_576 = tpu.vector_load %arg6[%get3A_575] {strides = array<i32>} : memref<512xi32, #tpu.memory_space<vmem>>, vector<16xi32>,
    %get3A_577 = vector.shape_cast %get3A_576 : vector<16xi32> to vector<16xi32>
    %sub3A_578 = arith.constant 1894 : i32
    %sub3A_579 = vector.broadcast %sub3A_578 : i32 to vector<16xi32>
    %sub3A_580 = arith.subi %get3A_577, %sub3A_579 : vector<16xi32>
    %jit3A_581 = arith.constant 0 : i32
    %jit3A_582 = arith.constant 256 : i32
    %max3A_583 = vector.broadcast %jit3A_581 : i32 to vector<16xi32>
    %max3A_584 = arith.maxsi %max3A_583, %sub3A_580 : vector<16xi32>
    %min3A_585 = vector.broadcast %jit3A_582 : i32 to vector<16xi32>
    %min3A_586 = arith.minsi %min3A_585, %max3A_584 : vector<16xi32>
    %swap3A_587 = arith.constant 7 : i32
    %swap3A_588 = arith.index_cast %swap3A_587 : i32 to index
    %swap3A_589 = arith.constant 0 : index
    %swap3A_590 = tpu.vector_load %arg7[%swap3A_588, %swap3A_589] {strides = array<i32>} : memref<8x64xi32, #tpu.memory_space<vmem>>, vector<1x16xi32>,
    %swap3A_591 = vector.shape_cast %swap3A_590 : vector<1x16xi32> to vector<16xi32>
    %swap3A_592 = vector.shape_cast %min3A_586 : vector<16xi32> to vector<1x16xi32>
    tpu.vector_store %arg7[%swap3A_588, %swap3A_589], %swap3A_592 {strides = array<i32>} : memref<8x64xi32, #tpu.memory_space<vmem>>, vector<1x16xi32>,
    %get3A_593 = arith.constant 464 : index
    %get3A_594 = tpu.vector_load %arg6[%get3A_593] {strides = array<i32>} : memref<512xi32, #tpu.memory_space<vmem>>, vector<16xi32>,
    %get3A_595 = vector.shape_cast %get3A_594 : vector<16xi32> to vector<16xi32>
    %sub3A_596 = arith.constant 1894 : i32
    %sub3A_597 = vector.broadcast %sub3A_596 : i32 to vector<16xi32>
    %sub3A_598 = arith.subi %get3A_595, %sub3A_597 : vector<16xi32>
    %jit3A_599 = arith.constant 0 : i32
    %jit3A_600 = arith.constant 256 : i32
    %max3A_601 = vector.broadcast %jit3A_599 : i32 to vector<16xi32>
    %max3A_602 = arith.maxsi %max3A_601, %sub3A_598 : vector<16xi32>
    %min3A_603 = vector.broadcast %jit3A_600 : i32 to vector<16xi32>
    %min3A_604 = arith.minsi %min3A_603, %max3A_602 : vector<16xi32>
    %swap3A_605 = arith.constant 7 : i32
    %swap3A_606 = arith.index_cast %swap3A_605 : i32 to index
    %swap3A_607 = arith.constant 16 : index
    %swap3A_608 = tpu.vector_load %arg7[%swap3A_606, %swap3A_607] {strides = array<i32>} : memref<8x64xi32, #tpu.memory_space<vmem>>, vector<1x16xi32>,
    %swap3A_609 = vector.shape_cast %swap3A_608 : vector<1x16xi32> to vector<16xi32>
    %swap3A_610 = vector.shape_cast %min3A_604 : vector<16xi32> to vector<1x16xi32>
    tpu.vector_store %arg7[%swap3A_606, %swap3A_607], %swap3A_610 {strides = array<i32>} : memref<8x64xi32, #tpu.memory_space<vmem>>, vector<1x16xi32>,
    %get3A_611 = arith.constant 480 : index
    %get3A_612 = tpu.vector_load %arg6[%get3A_611] {strides = array<i32>} : memref<512xi32, #tpu.memory_space<vmem>>, vector<16xi32>,
    %get3A_613 = vector.shape_cast %get3A_612 : vector<16xi32> to vector<16xi32>
    %sub3A_614 = arith.constant 1894 : i32
    %sub3A_615 = vector.broadcast %sub3A_614 : i32 to vector<16xi32>
    %sub3A_616 = arith.subi %get3A_613, %sub3A_615 : vector<16xi32>
    %jit3A_617 = arith.constant 0 : i32
    %jit3A_618 = arith.constant 256 : i32
    %max3A_619 = vector.broadcast %jit3A_617 : i32 to vector<16xi32>
    %max3A_620 = arith.maxsi %max3A_619, %sub3A_616 : vector<16xi32>
    %min3A_621 = vector.broadcast %jit3A_618 : i32 to vector<16xi32>
    %min3A_622 = arith.minsi %min3A_621, %max3A_620 : vector<16xi32>
    %swap3A_623 = arith.constant 7 : i32
    %swap3A_624 = arith.index_cast %swap3A_623 : i32 to index
    %swap3A_625 = arith.constant 32 : index
    %swap3A_626 = tpu.vector_load %arg7[%swap3A_624, %swap3A_625] {strides = array<i32>} : memref<8x64xi32, #tpu.memory_space<vmem>>, vector<1x16xi32>,
    %swap3A_627 = vector.shape_cast %swap3A_626 : vector<1x16xi32> to vector<16xi32>
    %swap3A_628 = vector.shape_cast %min3A_622 : vector<16xi32> to vector<1x16xi32>
    tpu.vector_store %arg7[%swap3A_624, %swap3A_625], %swap3A_628 {strides = array<i32>} : memref<8x64xi32, #tpu.memory_space<vmem>>, vector<1x16xi32>,
    %get3A_629 = arith.constant 496 : index
    %get3A_630 = tpu.vector_load %arg6[%get3A_629] {strides = array<i32>} : memref<512xi32, #tpu.memory_space<vmem>>, vector<16xi32>,
    %get3A_631 = vector.shape_cast %get3A_630 : vector<16xi32> to vector<16xi32>
    %sub3A_632 = arith.constant 1894 : i32
    %sub3A_633 = vector.broadcast %sub3A_632 : i32 to vector<16xi32>
    %sub3A_634 = arith.subi %get3A_631, %sub3A_633 : vector<16xi32>
    %jit3A_635 = arith.constant 0 : i32
    %jit3A_636 = arith.constant 256 : i32
    %max3A_637 = vector.broadcast %jit3A_635 : i32 to vector<16xi32>
    %max3A_638 = arith.maxsi %max3A_637, %sub3A_634 : vector<16xi32>
    %min3A_639 = vector.broadcast %jit3A_636 : i32 to vector<16xi32>
    %min3A_640 = arith.minsi %min3A_639, %max3A_638 : vector<16xi32>
    %swap3A_641 = arith.constant 7 : i32
    %swap3A_642 = arith.index_cast %swap3A_641 : i32 to index
    %swap3A_643 = arith.constant 48 : index
    %swap3A_644 = tpu.vector_load %arg7[%swap3A_642, %swap3A_643] {strides = array<i32>} : memref<8x64xi32, #tpu.memory_space<vmem>>, vector<1x16xi32>,
    %swap3A_645 = vector.shape_cast %swap3A_644 : vector<1x16xi32> to vector<16xi32>
    %swap3A_646 = vector.shape_cast %min3A_640 : vector<16xi32> to vector<1x16xi32>
    tpu.vector_store %arg7[%swap3A_642, %swap3A_643], %swap3A_646 {strides = array<i32>} : memref<8x64xi32, #tpu.memory_space<vmem>>, vector<1x16xi32>,
    %dma_start3A_647 = arith.constant 7 : i32
    %dma_start3A_648 = arith.constant 448 : i32
    %dma_start3A_649 = arith.constant 0 : i32
    %dma_start3A_650 = tpu.memref_slice %arg8[%dma_start3A_648, %dma_start3A_649] : memref<512x128xf32, #tpu.memory_space<vmem>> -> memref<64x128xf32, #tpu.memory_space<vmem>>
    %dma_start3A_651 = arith.constant 0 : i32
    %dma_start3A_652 = tpu.memref_slice %arg7[%dma_start3A_647, %dma_start3A_651] : memref<8x64xi32, #tpu.memory_space<vmem>> -> memref<1x64xi32, #tpu.memory_space<vmem>>
    %dma_start3A_653 = tpu.memref_squeeze %dma_start3A_652 : memref<1x64xi32, #tpu.memory_space<vmem>> -> memref<64xi32, #tpu.memory_space<vmem>>
    %dma_start3A_654 = arith.constant 0 : i32
    %dma_start3A_655 = arith.constant 0 : i32
    %dma_start3A_656 = tpu.memref_slice %arg5[%dma_start3A_654, %dma_start3A_655] : memref<257x128xf32, #tpu.memory_space<vmem_shared>> -> memref<257x128xf32, #tpu.memory_space<vmem_shared>>
    tpu.enqueue_indirect_dma source(%dma_start3A_656 : memref<257x128xf32, #tpu.memory_space<vmem_shared>>) target(%dma_start3A_650 : memref<64x128xf32, #tpu.memory_space<vmem>>) offsets(%dma_start3A_653 : memref<64xi32, #tpu.memory_space<vmem>>) semaphore(%arg10 : memref<!tpu.dma_semaphore, #tpu.memory_space<semaphore_mem>>)
    %dma_wait3A_657 = arith.constant 0 : i32
    %dma_wait3A_658 = arith.constant 0 : i32
    %dma_wait3A_659 = arith.constant 0 : i32
    %dma_wait3A_660 = tpu.memref_slice %arg8[%dma_wait3A_658, %dma_wait3A_659] : memref<512x128xf32, #tpu.memory_space<vmem>> -> memref<64x128xf32, #tpu.memory_space<vmem>>
    %dma_wait3A_661 = arith.constant 0 : i32
    %dma_wait3A_662 = tpu.memref_slice %arg7[%dma_wait3A_657, %dma_wait3A_661] : memref<8x64xi32, #tpu.memory_space<vmem>> -> memref<1x64xi32, #tpu.memory_space<vmem>>
    %dma_wait3A_663 = tpu.memref_squeeze %dma_wait3A_662 : memref<1x64xi32, #tpu.memory_space<vmem>> -> memref<64xi32, #tpu.memory_space<vmem>>
    %dma_wait3A_664 = arith.constant 0 : i32
    %dma_wait3A_665 = arith.constant 0 : i32
    %dma_wait3A_666 = tpu.memref_slice %arg5[%dma_wait3A_664, %dma_wait3A_665] : memref<257x128xf32, #tpu.memory_space<vmem_shared>> -> memref<257x128xf32, #tpu.memory_space<vmem_shared>>
    tpu.wait_indirect_dma semaphore(%arg10 : memref<!tpu.dma_semaphore, #tpu.memory_space<semaphore_mem>>) src(%dma_wait3A_666 : memref<257x128xf32, #tpu.memory_space<vmem_shared>>) dst(%dma_wait3A_660 : memref<64x128xf32, #tpu.memory_space<vmem>>)
    %add3A_667 = arith.constant 0 : i32
    %add3A_668 = arith.addi %mul3A_2, %add3A_667 : i32
    %dma_start3A_669 = arith.constant 0 : i32
    %dma_start3A_670 = arith.constant 0 : i32
    %dma_start3A_671 = tpu.memref_slice %arg8[%dma_start3A_669, %dma_start3A_670] : memref<512x128xf32, #tpu.memory_space<vmem>> -> memref<64x128xf32, #tpu.memory_space<vmem>>
    %dma_start3A_672 = arith.constant 0 : i32
    %dma_start3A_673 = tpu.memref_slice %arg4[%add3A_668, %dma_start3A_672] : memref<16384x128xf32, #tpu.memory_space<hbm>> -> memref<64x128xf32, #tpu.memory_space<hbm>>
    %dma_start3A_674 = arith.constant 0 : i32
    %dma_start3A_675 = tpu.memref_slice %arg4[%add3A_668, %dma_start3A_674] : memref<16384x128xf32, #tpu.memory_space<hbm>> -> memref<64x128xf32, #tpu.memory_space<hbm>>
    %dma_start3A_676 = arith.constant 0 : i32
    %dma_start3A_677 = arith.constant 0 : i32
    %dma_start3A_678 = tpu.memref_slice %arg8[%dma_start3A_676, %dma_start3A_677] : memref<512x128xf32, #tpu.memory_space<vmem>> -> memref<64x128xf32, #tpu.memory_space<vmem>>
    tpu.enqueue_dma source(%dma_start3A_678 : memref<64x128xf32, #tpu.memory_space<vmem>>) target(%dma_start3A_675 : memref<64x128xf32, #tpu.memory_space<hbm>>) target_semaphore(%arg11 : memref<!tpu.dma_semaphore, #tpu.memory_space<semaphore_mem>>)
    %dma_wait3A_679 = arith.constant 1 : i32
    %dma_wait3A_680 = arith.constant 64 : i32
    %dma_wait3A_681 = arith.constant 0 : i32
    %dma_wait3A_682 = tpu.memref_slice %arg8[%dma_wait3A_680, %dma_wait3A_681] : memref<512x128xf32, #tpu.memory_space<vmem>> -> memref<64x128xf32, #tpu.memory_space<vmem>>
    %dma_wait3A_683 = arith.constant 0 : i32
    %dma_wait3A_684 = tpu.memref_slice %arg7[%dma_wait3A_679, %dma_wait3A_683] : memref<8x64xi32, #tpu.memory_space<vmem>> -> memref<1x64xi32, #tpu.memory_space<vmem>>
    %dma_wait3A_685 = tpu.memref_squeeze %dma_wait3A_684 : memref<1x64xi32, #tpu.memory_space<vmem>> -> memref<64xi32, #tpu.memory_space<vmem>>
    %dma_wait3A_686 = arith.constant 0 : i32
    %dma_wait3A_687 = arith.constant 0 : i32
    %dma_wait3A_688 = tpu.memref_slice %arg5[%dma_wait3A_686, %dma_wait3A_687] : memref<257x128xf32, #tpu.memory_space<vmem_shared>> -> memref<257x128xf32, #tpu.memory_space<vmem_shared>>
    tpu.wait_indirect_dma semaphore(%arg10 : memref<!tpu.dma_semaphore, #tpu.memory_space<semaphore_mem>>) src(%dma_wait3A_688 : memref<257x128xf32, #tpu.memory_space<vmem_shared>>) dst(%dma_wait3A_682 : memref<64x128xf32, #tpu.memory_space<vmem>>)
    %add3A_689 = arith.constant 64 : i32
    %add3A_690 = arith.addi %mul3A_2, %add3A_689 : i32
    %dma_start3A_691 = arith.constant 64 : i32
    %dma_start3A_692 = arith.constant 0 : i32
    %dma_start3A_693 = tpu.memref_slice %arg8[%dma_start3A_691, %dma_start3A_692] : memref<512x128xf32, #tpu.memory_space<vmem>> -> memref<64x128xf32, #tpu.memory_space<vmem>>
    %dma_start3A_694 = arith.constant 0 : i32
    %dma_start3A_695 = tpu.memref_slice %arg4[%add3A_690, %dma_start3A_694] : memref<16384x128xf32, #tpu.memory_space<hbm>> -> memref<64x128xf32, #tpu.memory_space<hbm>>
    %dma_start3A_696 = arith.constant 0 : i32
    %dma_start3A_697 = tpu.memref_slice %arg4[%add3A_690, %dma_start3A_696] : memref<16384x128xf32, #tpu.memory_space<hbm>> -> memref<64x128xf32, #tpu.memory_space<hbm>>
    %dma_start3A_698 = arith.constant 64 : i32
    %dma_start3A_699 = arith.constant 0 : i32
    %dma_start3A_700 = tpu.memref_slice %arg8[%dma_start3A_698, %dma_start3A_699] : memref<512x128xf32, #tpu.memory_space<vmem>> -> memref<64x128xf32, #tpu.memory_space<vmem>>
    tpu.enqueue_dma source(%dma_start3A_700 : memref<64x128xf32, #tpu.memory_space<vmem>>) target(%dma_start3A_697 : memref<64x128xf32, #tpu.memory_space<hbm>>) target_semaphore(%arg11 : memref<!tpu.dma_semaphore, #tpu.memory_space<semaphore_mem>>)
    %dma_wait3A_701 = arith.constant 2 : i32
    %dma_wait3A_702 = arith.constant 128 : i32
    %dma_wait3A_703 = arith.constant 0 : i32
    %dma_wait3A_704 = tpu.memref_slice %arg8[%dma_wait3A_702, %dma_wait3A_703] : memref<512x128xf32, #tpu.memory_space<vmem>> -> memref<64x128xf32, #tpu.memory_space<vmem>>
    %dma_wait3A_705 = arith.constant 0 : i32
    %dma_wait3A_706 = tpu.memref_slice %arg7[%dma_wait3A_701, %dma_wait3A_705] : memref<8x64xi32, #tpu.memory_space<vmem>> -> memref<1x64xi32, #tpu.memory_space<vmem>>
    %dma_wait3A_707 = tpu.memref_squeeze %dma_wait3A_706 : memref<1x64xi32, #tpu.memory_space<vmem>> -> memref<64xi32, #tpu.memory_space<vmem>>
    %dma_wait3A_708 = arith.constant 0 : i32
    %dma_wait3A_709 = arith.constant 0 : i32
    %dma_wait3A_710 = tpu.memref_slice %arg5[%dma_wait3A_708, %dma_wait3A_709] : memref<257x128xf32, #tpu.memory_space<vmem_shared>> -> memref<257x128xf32, #tpu.memory_space<vmem_shared>>
    tpu.wait_indirect_dma semaphore(%arg10 : memref<!tpu.dma_semaphore, #tpu.memory_space<semaphore_mem>>) src(%dma_wait3A_710 : memref<257x128xf32, #tpu.memory_space<vmem_shared>>) dst(%dma_wait3A_704 : memref<64x128xf32, #tpu.memory_space<vmem>>)
    %add3A_711 = arith.constant 128 : i32
    %add3A_712 = arith.addi %mul3A_2, %add3A_711 : i32
    %dma_start3A_713 = arith.constant 128 : i32
    %dma_start3A_714 = arith.constant 0 : i32
    %dma_start3A_715 = tpu.memref_slice %arg8[%dma_start3A_713, %dma_start3A_714] : memref<512x128xf32, #tpu.memory_space<vmem>> -> memref<64x128xf32, #tpu.memory_space<vmem>>
    %dma_start3A_716 = arith.constant 0 : i32
    %dma_start3A_717 = tpu.memref_slice %arg4[%add3A_712, %dma_start3A_716] : memref<16384x128xf32, #tpu.memory_space<hbm>> -> memref<64x128xf32, #tpu.memory_space<hbm>>
    %dma_start3A_718 = arith.constant 0 : i32
    %dma_start3A_719 = tpu.memref_slice %arg4[%add3A_712, %dma_start3A_718] : memref<16384x128xf32, #tpu.memory_space<hbm>> -> memref<64x128xf32, #tpu.memory_space<hbm>>
    %dma_start3A_720 = arith.constant 128 : i32
    %dma_start3A_721 = arith.constant 0 : i32
    %dma_start3A_722 = tpu.memref_slice %arg8[%dma_start3A_720, %dma_start3A_721] : memref<512x128xf32, #tpu.memory_space<vmem>> -> memref<64x128xf32, #tpu.memory_space<vmem>>
    tpu.enqueue_dma source(%dma_start3A_722 : memref<64x128xf32, #tpu.memory_space<vmem>>) target(%dma_start3A_719 : memref<64x128xf32, #tpu.memory_space<hbm>>) target_semaphore(%arg11 : memref<!tpu.dma_semaphore, #tpu.memory_space<semaphore_mem>>)
    %dma_wait3A_723 = arith.constant 3 : i32
    %dma_wait3A_724 = arith.constant 192 : i32
    %dma_wait3A_725 = arith.constant 0 : i32
    %dma_wait3A_726 = tpu.memref_slice %arg8[%dma_wait3A_724, %dma_wait3A_725] : memref<512x128xf32, #tpu.memory_space<vmem>> -> memref<64x128xf32, #tpu.memory_space<vmem>>
    %dma_wait3A_727 = arith.constant 0 : i32
    %dma_wait3A_728 = tpu.memref_slice %arg7[%dma_wait3A_723, %dma_wait3A_727] : memref<8x64xi32, #tpu.memory_space<vmem>> -> memref<1x64xi32, #tpu.memory_space<vmem>>
    %dma_wait3A_729 = tpu.memref_squeeze %dma_wait3A_728 : memref<1x64xi32, #tpu.memory_space<vmem>> -> memref<64xi32, #tpu.memory_space<vmem>>
    %dma_wait3A_730 = arith.constant 0 : i32
    %dma_wait3A_731 = arith.constant 0 : i32
    %dma_wait3A_732 = tpu.memref_slice %arg5[%dma_wait3A_730, %dma_wait3A_731] : memref<257x128xf32, #tpu.memory_space<vmem_shared>> -> memref<257x128xf32, #tpu.memory_space<vmem_shared>>
    tpu.wait_indirect_dma semaphore(%arg10 : memref<!tpu.dma_semaphore, #tpu.memory_space<semaphore_mem>>) src(%dma_wait3A_732 : memref<257x128xf32, #tpu.memory_space<vmem_shared>>) dst(%dma_wait3A_726 : memref<64x128xf32, #tpu.memory_space<vmem>>)
    %add3A_733 = arith.constant 192 : i32
    %add3A_734 = arith.addi %mul3A_2, %add3A_733 : i32
    %dma_start3A_735 = arith.constant 192 : i32
    %dma_start3A_736 = arith.constant 0 : i32
    %dma_start3A_737 = tpu.memref_slice %arg8[%dma_start3A_735, %dma_start3A_736] : memref<512x128xf32, #tpu.memory_space<vmem>> -> memref<64x128xf32, #tpu.memory_space<vmem>>
    %dma_start3A_738 = arith.constant 0 : i32
    %dma_start3A_739 = tpu.memref_slice %arg4[%add3A_734, %dma_start3A_738] : memref<16384x128xf32, #tpu.memory_space<hbm>> -> memref<64x128xf32, #tpu.memory_space<hbm>>
    %dma_start3A_740 = arith.constant 0 : i32
    %dma_start3A_741 = tpu.memref_slice %arg4[%add3A_734, %dma_start3A_740] : memref<16384x128xf32, #tpu.memory_space<hbm>> -> memref<64x128xf32, #tpu.memory_space<hbm>>
    %dma_start3A_742 = arith.constant 192 : i32
    %dma_start3A_743 = arith.constant 0 : i32
    %dma_start3A_744 = tpu.memref_slice %arg8[%dma_start3A_742, %dma_start3A_743] : memref<512x128xf32, #tpu.memory_space<vmem>> -> memref<64x128xf32, #tpu.memory_space<vmem>>
    tpu.enqueue_dma source(%dma_start3A_744 : memref<64x128xf32, #tpu.memory_space<vmem>>) target(%dma_start3A_741 : memref<64x128xf32, #tpu.memory_space<hbm>>) target_semaphore(%arg11 : memref<!tpu.dma_semaphore, #tpu.memory_space<semaphore_mem>>)
    %dma_wait3A_745 = arith.constant 4 : i32
    %dma_wait3A_746 = arith.constant 256 : i32
    %dma_wait3A_747 = arith.constant 0 : i32
    %dma_wait3A_748 = tpu.memref_slice %arg8[%dma_wait3A_746, %dma_wait3A_747] : memref<512x128xf32, #tpu.memory_space<vmem>> -> memref<64x128xf32, #tpu.memory_space<vmem>>
    %dma_wait3A_749 = arith.constant 0 : i32
    %dma_wait3A_750 = tpu.memref_slice %arg7[%dma_wait3A_745, %dma_wait3A_749] : memref<8x64xi32, #tpu.memory_space<vmem>> -> memref<1x64xi32, #tpu.memory_space<vmem>>
    %dma_wait3A_751 = tpu.memref_squeeze %dma_wait3A_750 : memref<1x64xi32, #tpu.memory_space<vmem>> -> memref<64xi32, #tpu.memory_space<vmem>>
    %dma_wait3A_752 = arith.constant 0 : i32
    %dma_wait3A_753 = arith.constant 0 : i32
    %dma_wait3A_754 = tpu.memref_slice %arg5[%dma_wait3A_752, %dma_wait3A_753] : memref<257x128xf32, #tpu.memory_space<vmem_shared>> -> memref<257x128xf32, #tpu.memory_space<vmem_shared>>
    tpu.wait_indirect_dma semaphore(%arg10 : memref<!tpu.dma_semaphore, #tpu.memory_space<semaphore_mem>>) src(%dma_wait3A_754 : memref<257x128xf32, #tpu.memory_space<vmem_shared>>) dst(%dma_wait3A_748 : memref<64x128xf32, #tpu.memory_space<vmem>>)
    %add3A_755 = arith.constant 256 : i32
    %add3A_756 = arith.addi %mul3A_2, %add3A_755 : i32
    %dma_start3A_757 = arith.constant 256 : i32
    %dma_start3A_758 = arith.constant 0 : i32
    %dma_start3A_759 = tpu.memref_slice %arg8[%dma_start3A_757, %dma_start3A_758] : memref<512x128xf32, #tpu.memory_space<vmem>> -> memref<64x128xf32, #tpu.memory_space<vmem>>
    %dma_start3A_760 = arith.constant 0 : i32
    %dma_start3A_761 = tpu.memref_slice %arg4[%add3A_756, %dma_start3A_760] : memref<16384x128xf32, #tpu.memory_space<hbm>> -> memref<64x128xf32, #tpu.memory_space<hbm>>
    %dma_start3A_762 = arith.constant 0 : i32
    %dma_start3A_763 = tpu.memref_slice %arg4[%add3A_756, %dma_start3A_762] : memref<16384x128xf32, #tpu.memory_space<hbm>> -> memref<64x128xf32, #tpu.memory_space<hbm>>
    %dma_start3A_764 = arith.constant 256 : i32
    %dma_start3A_765 = arith.constant 0 : i32
    %dma_start3A_766 = tpu.memref_slice %arg8[%dma_start3A_764, %dma_start3A_765] : memref<512x128xf32, #tpu.memory_space<vmem>> -> memref<64x128xf32, #tpu.memory_space<vmem>>
    tpu.enqueue_dma source(%dma_start3A_766 : memref<64x128xf32, #tpu.memory_space<vmem>>) target(%dma_start3A_763 : memref<64x128xf32, #tpu.memory_space<hbm>>) target_semaphore(%arg11 : memref<!tpu.dma_semaphore, #tpu.memory_space<semaphore_mem>>)
    %dma_wait3A_767 = arith.constant 5 : i32
    %dma_wait3A_768 = arith.constant 320 : i32
    %dma_wait3A_769 = arith.constant 0 : i32
    %dma_wait3A_770 = tpu.memref_slice %arg8[%dma_wait3A_768, %dma_wait3A_769] : memref<512x128xf32, #tpu.memory_space<vmem>> -> memref<64x128xf32, #tpu.memory_space<vmem>>
    %dma_wait3A_771 = arith.constant 0 : i32
    %dma_wait3A_772 = tpu.memref_slice %arg7[%dma_wait3A_767, %dma_wait3A_771] : memref<8x64xi32, #tpu.memory_space<vmem>> -> memref<1x64xi32, #tpu.memory_space<vmem>>
    %dma_wait3A_773 = tpu.memref_squeeze %dma_wait3A_772 : memref<1x64xi32, #tpu.memory_space<vmem>> -> memref<64xi32, #tpu.memory_space<vmem>>
    %dma_wait3A_774 = arith.constant 0 : i32
    %dma_wait3A_775 = arith.constant 0 : i32
    %dma_wait3A_776 = tpu.memref_slice %arg5[%dma_wait3A_774, %dma_wait3A_775] : memref<257x128xf32, #tpu.memory_space<vmem_shared>> -> memref<257x128xf32, #tpu.memory_space<vmem_shared>>
    tpu.wait_indirect_dma semaphore(%arg10 : memref<!tpu.dma_semaphore, #tpu.memory_space<semaphore_mem>>) src(%dma_wait3A_776 : memref<257x128xf32, #tpu.memory_space<vmem_shared>>) dst(%dma_wait3A_770 : memref<64x128xf32, #tpu.memory_space<vmem>>)
    %add3A_777 = arith.constant 320 : i32
    %add3A_778 = arith.addi %mul3A_2, %add3A_777 : i32
    %dma_start3A_779 = arith.constant 320 : i32
    %dma_start3A_780 = arith.constant 0 : i32
    %dma_start3A_781 = tpu.memref_slice %arg8[%dma_start3A_779, %dma_start3A_780] : memref<512x128xf32, #tpu.memory_space<vmem>> -> memref<64x128xf32, #tpu.memory_space<vmem>>
    %dma_start3A_782 = arith.constant 0 : i32
    %dma_start3A_783 = tpu.memref_slice %arg4[%add3A_778, %dma_start3A_782] : memref<16384x128xf32, #tpu.memory_space<hbm>> -> memref<64x128xf32, #tpu.memory_space<hbm>>
    %dma_start3A_784 = arith.constant 0 : i32
    %dma_start3A_785 = tpu.memref_slice %arg4[%add3A_778, %dma_start3A_784] : memref<16384x128xf32, #tpu.memory_space<hbm>> -> memref<64x128xf32, #tpu.memory_space<hbm>>
    %dma_start3A_786 = arith.constant 320 : i32
    %dma_start3A_787 = arith.constant 0 : i32
    %dma_start3A_788 = tpu.memref_slice %arg8[%dma_start3A_786, %dma_start3A_787] : memref<512x128xf32, #tpu.memory_space<vmem>> -> memref<64x128xf32, #tpu.memory_space<vmem>>
    tpu.enqueue_dma source(%dma_start3A_788 : memref<64x128xf32, #tpu.memory_space<vmem>>) target(%dma_start3A_785 : memref<64x128xf32, #tpu.memory_space<hbm>>) target_semaphore(%arg11 : memref<!tpu.dma_semaphore, #tpu.memory_space<semaphore_mem>>)
    %dma_wait3A_789 = arith.constant 6 : i32
    %dma_wait3A_790 = arith.constant 384 : i32
    %dma_wait3A_791 = arith.constant 0 : i32
    %dma_wait3A_792 = tpu.memref_slice %arg8[%dma_wait3A_790, %dma_wait3A_791] : memref<512x128xf32, #tpu.memory_space<vmem>> -> memref<64x128xf32, #tpu.memory_space<vmem>>
    %dma_wait3A_793 = arith.constant 0 : i32
    %dma_wait3A_794 = tpu.memref_slice %arg7[%dma_wait3A_789, %dma_wait3A_793] : memref<8x64xi32, #tpu.memory_space<vmem>> -> memref<1x64xi32, #tpu.memory_space<vmem>>
    %dma_wait3A_795 = tpu.memref_squeeze %dma_wait3A_794 : memref<1x64xi32, #tpu.memory_space<vmem>> -> memref<64xi32, #tpu.memory_space<vmem>>
    %dma_wait3A_796 = arith.constant 0 : i32
    %dma_wait3A_797 = arith.constant 0 : i32
    %dma_wait3A_798 = tpu.memref_slice %arg5[%dma_wait3A_796, %dma_wait3A_797] : memref<257x128xf32, #tpu.memory_space<vmem_shared>> -> memref<257x128xf32, #tpu.memory_space<vmem_shared>>
    tpu.wait_indirect_dma semaphore(%arg10 : memref<!tpu.dma_semaphore, #tpu.memory_space<semaphore_mem>>) src(%dma_wait3A_798 : memref<257x128xf32, #tpu.memory_space<vmem_shared>>) dst(%dma_wait3A_792 : memref<64x128xf32, #tpu.memory_space<vmem>>)
    %add3A_799 = arith.constant 384 : i32
    %add3A_800 = arith.addi %mul3A_2, %add3A_799 : i32
    %dma_start3A_801 = arith.constant 384 : i32
    %dma_start3A_802 = arith.constant 0 : i32
    %dma_start3A_803 = tpu.memref_slice %arg8[%dma_start3A_801, %dma_start3A_802] : memref<512x128xf32, #tpu.memory_space<vmem>> -> memref<64x128xf32, #tpu.memory_space<vmem>>
    %dma_start3A_804 = arith.constant 0 : i32
    %dma_start3A_805 = tpu.memref_slice %arg4[%add3A_800, %dma_start3A_804] : memref<16384x128xf32, #tpu.memory_space<hbm>> -> memref<64x128xf32, #tpu.memory_space<hbm>>
    %dma_start3A_806 = arith.constant 0 : i32
    %dma_start3A_807 = tpu.memref_slice %arg4[%add3A_800, %dma_start3A_806] : memref<16384x128xf32, #tpu.memory_space<hbm>> -> memref<64x128xf32, #tpu.memory_space<hbm>>
    %dma_start3A_808 = arith.constant 384 : i32
    %dma_start3A_809 = arith.constant 0 : i32
    %dma_start3A_810 = tpu.memref_slice %arg8[%dma_start3A_808, %dma_start3A_809] : memref<512x128xf32, #tpu.memory_space<vmem>> -> memref<64x128xf32, #tpu.memory_space<vmem>>
    tpu.enqueue_dma source(%dma_start3A_810 : memref<64x128xf32, #tpu.memory_space<vmem>>) target(%dma_start3A_807 : memref<64x128xf32, #tpu.memory_space<hbm>>) target_semaphore(%arg11 : memref<!tpu.dma_semaphore, #tpu.memory_space<semaphore_mem>>)
    %dma_wait3A_811 = arith.constant 7 : i32
    %dma_wait3A_812 = arith.constant 448 : i32
    %dma_wait3A_813 = arith.constant 0 : i32
    %dma_wait3A_814 = tpu.memref_slice %arg8[%dma_wait3A_812, %dma_wait3A_813] : memref<512x128xf32, #tpu.memory_space<vmem>> -> memref<64x128xf32, #tpu.memory_space<vmem>>
    %dma_wait3A_815 = arith.constant 0 : i32
    %dma_wait3A_816 = tpu.memref_slice %arg7[%dma_wait3A_811, %dma_wait3A_815] : memref<8x64xi32, #tpu.memory_space<vmem>> -> memref<1x64xi32, #tpu.memory_space<vmem>>
    %dma_wait3A_817 = tpu.memref_squeeze %dma_wait3A_816 : memref<1x64xi32, #tpu.memory_space<vmem>> -> memref<64xi32, #tpu.memory_space<vmem>>
    %dma_wait3A_818 = arith.constant 0 : i32
    %dma_wait3A_819 = arith.constant 0 : i32
    %dma_wait3A_820 = tpu.memref_slice %arg5[%dma_wait3A_818, %dma_wait3A_819] : memref<257x128xf32, #tpu.memory_space<vmem_shared>> -> memref<257x128xf32, #tpu.memory_space<vmem_shared>>
    tpu.wait_indirect_dma semaphore(%arg10 : memref<!tpu.dma_semaphore, #tpu.memory_space<semaphore_mem>>) src(%dma_wait3A_820 : memref<257x128xf32, #tpu.memory_space<vmem_shared>>) dst(%dma_wait3A_814 : memref<64x128xf32, #tpu.memory_space<vmem>>)
    %add3A_821 = arith.constant 448 : i32
    %add3A_822 = arith.addi %mul3A_2, %add3A_821 : i32
    %dma_start3A_823 = arith.constant 448 : i32
    %dma_start3A_824 = arith.constant 0 : i32
    %dma_start3A_825 = tpu.memref_slice %arg8[%dma_start3A_823, %dma_start3A_824] : memref<512x128xf32, #tpu.memory_space<vmem>> -> memref<64x128xf32, #tpu.memory_space<vmem>>
    %dma_start3A_826 = arith.constant 0 : i32
    %dma_start3A_827 = tpu.memref_slice %arg4[%add3A_822, %dma_start3A_826] : memref<16384x128xf32, #tpu.memory_space<hbm>> -> memref<64x128xf32, #tpu.memory_space<hbm>>
    %dma_start3A_828 = arith.constant 0 : i32
    %dma_start3A_829 = tpu.memref_slice %arg4[%add3A_822, %dma_start3A_828] : memref<16384x128xf32, #tpu.memory_space<hbm>> -> memref<64x128xf32, #tpu.memory_space<hbm>>
    %dma_start3A_830 = arith.constant 448 : i32
    %dma_start3A_831 = arith.constant 0 : i32
    %dma_start3A_832 = tpu.memref_slice %arg8[%dma_start3A_830, %dma_start3A_831] : memref<512x128xf32, #tpu.memory_space<vmem>> -> memref<64x128xf32, #tpu.memory_space<vmem>>
    tpu.enqueue_dma source(%dma_start3A_832 : memref<64x128xf32, #tpu.memory_space<vmem>>) target(%dma_start3A_829 : memref<64x128xf32, #tpu.memory_space<hbm>>) target_semaphore(%arg11 : memref<!tpu.dma_semaphore, #tpu.memory_space<semaphore_mem>>)
    %dma_wait3A_833 = arith.constant 0 : i32
    %dma_wait3A_834 = tpu.memref_slice %arg4[%mul3A_2, %dma_wait3A_833] : memref<16384x128xf32, #tpu.memory_space<hbm>> -> memref<512x128xf32, #tpu.memory_space<hbm>>
    %dma_wait3A_835 = arith.constant 0 : i32
    %dma_wait3A_836 = tpu.memref_slice %arg4[%mul3A_2, %dma_wait3A_835] : memref<16384x128xf32, #tpu.memory_space<hbm>> -> memref<512x128xf32, #tpu.memory_space<hbm>>
    tpu.wait_dma2 semaphore(%arg11 : memref<!tpu.dma_semaphore, #tpu.memory_space<semaphore_mem>>) src(%arg8 : memref<512x128xf32, #tpu.memory_space<vmem>>) dst(%dma_wait3A_836 : memref<512x128xf32, #tpu.memory_space<hbm>>)
    return
  }
}

</mosaic_0001>

<sc_bundles>
// kernel: kernel.3.cloned.1.call-start
scs
__scs_entry_jumppad:
0x0: {  	(pc) =	sbr.rel $0x88, $3  }
0x1: {  	(tag) =	ssettag $0x0;
	lr =	simm.s32 $0x1  }
0x2: {  	[smem:$0x3F9F] =	sst lr;
	_ =	strace $0xD0000000  }
0x3: {  	_ = 	snop  }
0x4: {  	_ = 	snop  }
0x5: {  	_ = 	snop  }
0x6: {  	_ = 	snop  }
0x7: {  	_ = 	snop  }
__scs_overlays_trampoline_lowered:
0x8: {  	[smem:$0x3FAE] =	sst s0  }
0x9: {  	[smem:$0x3FAF] =	sst s1  }
0xa: {  	[smem:$0x3FB0] =	sst s2  }
0xb: {  	[smem:$0x3FB1] =	sst s3  }
0xc: {  	[smem:$0x3FB2] =	sst s4  }
0xd: {  	[smem:$0x3FB3] =	sst s5  }
0xe: {  	[smem:$0x3FB4] =	sst s6  }
0xf: {  	[smem:$0x3FB5] =	sst s7  }
0x10: {  	[smem:$0x3FB6] =	sst s8  }
0x11: {  	[smem:$0x3FB7] =	sst s9;
	s0 =	simm.s32 @!p0 $0x0  }
0x12: {  	s1 =	sld [smem:$0x3F9D];
	s0 =	simm.s32 @p0 $0x1  }
0x13: {  	[smem:$0x3FB8] =	sst s0;
	s0 =	simm.s32 @!p1 $0x0  }
0x14: {  	s2 =	sld [smem:$0x3F9C];
	s0 =	simm.s32 @p1 $0x1  }
0x15: {  	[smem:$0x3FB9] =	sst s0;
	s0 =	simm.s32 @!p2 $0x0  }
0x16: {  	s3 =	sld [smem:$0x3FDB];
	s0 =	simm.s32 @p2 $0x1  }
0x17: {  	s4 =	simm.s32 $0x1BF5;
	[smem:$0x3FBB] =	sst s0  }
0x18: {  	s0 =	sld [smem:$0x3F9E];
	_ =	swait.ge [sflag:s4], $0x0  }
0x19: {  	s7 =	sld [smem:$0x3F9F]  }
0x1a: {  	s8 =	sadd.s32 $0xFFFFE003, lr  }
0x1b: {  	s9 =	sadd.s32 $0xFFFFFEF7, lr;
	s5 =	simm.s32 $0xFFFFFFFF;
	p2 =	slt.u32 s8, $0xFFFFF086  }
0x1c: {  	p1 =	slt.u32 s9, $0xF7A;
	s5 =	simm.s32 @!p2 $0x0  }
0x1d: {  	s5 =	simm.s32 @p1 $0x1;
	p0 =	seq.s32 s7, s2  }
0x1e: {  	s7 =	smul.u32 @!p0 $0xF7A, s2;
	p2 =	seq.s32 @!p0 s5, $0x0  }
0x1f: {  	s9 =	smul.u32 $0xF7A, s1;
	s8 =	simm.s32 @!p0 $0x1BF5;
	p2 =	por !p2, p0  }
0x20: {  	[sflag:s8] =	ssyncset.s32 @!p0 $0xFFFFF086;
	s6 =	sadd.s32 @!p0 s3, s7;
	s7 =	simm.s32 @!p0 $0x108  }
0x21: {  	s3 =	sadd.s32 s3, s9;
	s6 =	sadd.s32 @!p0 $0x88, s6;
	s7 =	simm.s32 @p2 $0x1082  }
0x22: {  	[simem:s7], [sflag:s8] =	dma.local @!p0 [hbm:s6], $0xF7A  }
0x23: {  	s9 =	sor.u32 $0xD0000000, s2;
	s6 =	simm.s32 $0x108;
	_ =	swait.ge @!p0 [sflag:s8], $0x0  }
0x24: {  	s3 =	sadd.s32 $0x88, s3;
	s6 =	simm.s32 @!p1 $0x1082;
	[sflag:s4] =	ssyncset.s32 $0xFFFFF086  }
0x25: {  	[simem:s6], [sflag:s4] =	dma.local [hbm:s3], $0xF7A  }
0x26: {  	[smem:$0x3F9F] =	sst s1;
	(tag) =	ssettag s2;
	_ =	strace s9  }
0x27: {  	s1 =	sld [smem:$0x3FAF]  }
0x28: {  	s2 =	sld [smem:$0x3FB0]  }
0x29: {  	s4 =	sld [smem:$0x3FB2]  }
0x2a: {  	p0 =	seq.s32 s5, $0x0;
	s5 =	sld [smem:$0x3FB3]  }
0x2b: {  	s6 =	sld [smem:$0x3FB4]  }
0x2c: {  	s7 =	sld [smem:$0x3FB5]  }
0x2d: {  	s3 =	simm.s32 $0x108;
	s8 =	sld [smem:$0x3FB6]  }
0x2e: {  	s3 =	simm.s32 @!p0 $0x1082;
	s9 =	sld [smem:$0x3FB7]  }
0x2f: {  	lr =	sadd.s32 s0, s3;
	s0 =	sld [smem:$0x3FAE]  }
0x30: {  	s3 =	sld [smem:$0x3FB1]  }
0x31: {  	[smem:$0x3FBA] =	sst s10  }
0x32: {  	s10 =	sld [smem:$0x3FB8];
	_ =	sdelay $0x3  }
0x33: {  	p0 =	seq.s32 s10, $0x1;
	s10 =	sld [smem:$0x3FBA];
	_ =	sdelay $0x3  }
0x34: {  	[smem:$0x3FBA] =	sst s10  }
0x35: {  	s10 =	sld [smem:$0x3FB9];
	_ =	sdelay $0x3  }
0x36: {  	p1 =	seq.s32 s10, $0x1;
	s10 =	sld [smem:$0x3FBA];
	_ =	sdelay $0x3  }
0x37: {  	[smem:$0x3FBA] =	sst s10  }
0x38: {  	s10 =	sld [smem:$0x3FBB]  }
0x39: {  	_ = 	snop;
	(pc) =	sbr.ind lr, $3  }
0x3a: {  	_ = 	snop  }
0x3b: {  	_ = 	snop  }
0x3c: {  	p2 =	seq.s32 s10, $0x1;
	s10 =	sld [smem:$0x3FBA]  }
0x3d: {  	_ =	shalt  }
0x3e: {  	_ =	shalt  }
0x3f: {  	_ =	shalt  }
0x40: {  	_ =	shalt  }
0x41: {  	_ =	shalt  }
0x42: {  	_ =	shalt  }
0x43: {  	_ =	shalt  }
0x44: {  	_ =	shalt  }
0x45: {  	_ =	shalt  }
0x46: {  	_ =	shalt  }
0x47: {  	_ =	shalt  }
0x48: {  	_ =	shalt  }
0x49: {  	_ =	shalt  }
0x4a: {  	_ =	shalt  }
0x4b: {  	_ =	shalt  }
0x4c: {  	_ =	shalt  }
0x4d: {  	_ =	shalt  }
0x4e: {  	_ =	shalt  }
0x4f: {  	_ =	shalt  }
0x50: {  	_ =	shalt  }
0x51: {  	_ =	shalt  }
0x52: {  	_ =	shalt  }
0x53: {  	_ =	shalt  }
0x54: {  	_ =	shalt  }
0x55: {  	_ =	shalt  }
0x56: {  	_ =	shalt  }
0x57: {  	_ =	shalt  }
0x58: {  	_ =	shalt  }
0x59: {  	_ =	shalt  }
0x5a: {  	_ =	shalt  }
0x5b: {  	_ =	shalt  }
0x5c: {  	_ =	shalt  }
0x5d: {  	_ =	shalt  }
0x5e: {  	_ =	shalt  }
0x5f: {  	_ =	shalt  }
0x60: {  	_ =	shalt  }
0x61: {  	_ =	shalt  }
0x62: {  	_ =	shalt  }
0x63: {  	_ =	shalt  }
0x64: {  	_ =	shalt  }
0x65: {  	_ =	shalt  }
0x66: {  	_ =	shalt  }
0x67: {  	_ =	shalt  }
0x68: {  	_ =	shalt  }
0x69: {  	_ =	shalt  }
0x6a: {  	_ =	shalt  }
0x6b: {  	_ =	shalt  }
0x6c: {  	_ =	shalt  }
0x6d: {  	_ =	shalt  }
0x6e: {  	_ =	shalt  }
0x6f: {  	_ =	shalt  }
0x70: {  	_ =	shalt  }
0x71: {  	_ =	shalt  }
0x72: {  	_ =	shalt  }
0x73: {  	_ =	shalt  }
0x74: {  	_ =	shalt  }
0x75: {  	_ =	shalt  }
0x76: {  	_ =	shalt  }
0x77: {  	_ =	shalt  }
0x78: {  	_ =	shalt  }
0x79: {  	_ =	shalt  }
0x7a: {  	_ =	shalt  }
0x7b: {  	_ =	shalt  }
0x7c: {  	_ =	shalt  }
0x7d: {  	_ =	shalt  }
0x7e: {  	_ =	shalt  }
0x7f: {  	_ =	shalt  }
0x80: {  	_ =	shalt  }
0x81: {  	_ =	shalt  }
0x82: {  	_ =	shalt  }
0x83: {  	_ =	shalt  }
0x84: {  	_ =	shalt  }
0x85: {  	_ =	shalt  }
0x86: {  	_ =	shalt  }
0x87: {  	_ =	shalt  }
.Lfunc_end0:
.L_simem_size_0:
called_computation_lowered:
.L_overlay_start_0:
0x88: {  	s2 =	sld [smem:$0x3FD9]  }
0x89: {  	s3 =	sld [smem:$0x3FFE];
	_ =	sdelay $0x1  }
0x8a: {  	s1 =	srdreg.scid  }
0x8b: {  	s0 =	sand.u32 $0x1, s1  }
0x8c: {  	s18 =	sshll.u32 s0, $0xA;
	s2 =	sadd.s32 s3, s2  }
0x8d: {  	s2 =	sadd.s32 s2, s18  }
0x8e: {  	[smem:$0x3FC6] =	sst s2  }
0x8f: {  	_ = 	snop  }
0x90: {  	s2 =	sld [smem:$0x3FC9]  }
0x91: {  	s19 =	sld [smem:$0x3FC8]  }
0x92: {  	s4 =	sld [smem:$0x3FD0];
	(tm) =	ssettm $0x1  }
0x93: {  	s5 =	sld [smem:$0x3FFB];
	_ =	sdelay $0x3  }
0x94: {  	_ =	strace s5  }
0x95: {  	s5 =	sld [smem:$0x3FFC];
	_ =	sdelay $0x3  }
0x96: {  	_ =	strace s5  }
0x97: {  	s5 =	sld [smem:$0x3FFD];
	_ =	sdelay $0x3  }
0x98: {  	_ =	strace s5  }
0x99: {  	_ =	strace $0x8FFFFFFF  }
0x9a: {  	s20 =	sld [smem:$0x3FDB];
	_ =	sdelay $0x1  }
0x9b: {  	s6 =	simm.s32 $_scs_section_size  }
0x9c: {  	s7 =	simm.s32 $_size__tile_overlayer_lowered;
	s8 =	simm.s32 $_tile_overlayer_lowered  }
0x9d: {  	s23 =	simm.s32 $0x1BFF;
	s22 =	sshll.u32 s8, $0x1;
	s5 =	sadd.s32 s6, s20  }
0x9e: {  	s9 =	simm.s32 $0x0;
	s21 =	sshll.u32 s7, $0x1;
	s7 =	sadd.s32 s22, s5  }
0x9f: {  	[timem:s9], [sflag:s23] =	dma.local [hbm:s7], s21  }
0xa0: {  	_ =	swait.ge [sflag:s23], s21  }
0xa1: {  	s6 =	ssub.s32 $0x0, s21;
	[sflag:s23] =	ssyncset.done $0x0  }
0xa2: {  	[sflag:s23] =	ssyncadd.s32 s6;
	_ =	sdelay $0x1  }
0xa3: {  	s24 =	simm.s32 $0x1B8B  }
0xa4: {  	_ =	swait.ge [sflag:s24], $0x1  }
0xa5: {  	[sflag:s24] =	ssyncset.done $0x0  }
0xa6: {  	s25 =	simm.s32 $0x1B8E;
	[sflag:s24] =	ssyncadd.s32 $0xFFFFFFFF  }
0xa7: {  	s26 =	simm.s32 $execute0_lowered;
	[smem:$0x3FD2] =	sst s25  }
0xa8: {  	s6 =	sshll.u32 s26, $0x1;
	_ =	strace $0x80000046;
	[dreg:$0x1] =	wrdreg $0xFFFFFFFF  }
0xa9: {  	s28 =	simm.s32 $_size_execute0_lowered;
	s5 =	sadd.s32 s5, s6;
	[dreg:$0x0] =	wrdreg $0x0  }
0xaa: {  	s6 =	sshll.u32 s28, $0x1;
	[dreg:$0x2] =	wrdreg s5  }
0xab: {  	[dreg:$0x3] =	wrdreg s6  }
0xac: {  	[dreg:$0x4] =	wrdreg $0xC0  }
0xad: {  	_ =	task [dreg:s9], $0x5FFFF  }
0xae: {  	[dreg:$0x1] =	wrdreg $0xFFFFFFFF  }
0xaf: {  	[dreg:$0x0] =	wrdreg $0x60  }
0xb0: {  	[dreg:$0x2] =	wrdreg s2  }
0xb1: {  	[dreg:$0x3] =	wrdreg s19  }
0xb2: {  	[dreg:$0x4] =	wrdreg s4  }
0xb3: {  	[dreg:$0x5] =	wrdreg $0x0  }
0xb4: {  	[dreg:$0x6] =	wrdreg $0x9  }
0xb5: {  	_ =	task.clear_ibuf [dreg:s9], $0x7FFFF;
	_ =	strace $0x90000046  }
0xb6: {  	s29 =	simm.s32 $0x9;
	_ =	strace $0x80000048  }
0xb7: {  	_ =	swait.ge [sflag:s29], $0x1  }
0xb8: {  	[sflag:s29] =	ssyncadd.s32 $0xFFFFFFFF  }
0xb9: {  	_ =	strace $0x90000048  }
0xba: {  	_ =	sfence  }
0xbb: {  	s30 =	sld [smem:$0x0];
	_ =	sdelay $0x2  }
0xbc: {  	s31 =	sshll.u32 s1, $0xD;
	s1 =	sshrl.u32 s1, $0x2  }
0xbd: {  	s3 =	sand.u32 $0x4000, s31;
	s1 =	sadd.s32 s1, s30  }
0xbe: {  	s0 =	sor.u32 s3, s0;
	s1 =	sshll.u32 s1, $0x11  }
0xbf: {  	s0 =	sor.u32 s1, s0  }
0xc0: {  	s0 =	sadd.s32 $0x8F2B, s0  }
0xc1: {  	[sflag:s0] =	ssyncadd.remote.s32 $0x1  }
0xc2: {  	_ =	sfence.sel $0xFFFF  }
0xc3: {  	[dreg:$0x0] =	wrdreg $0xFFFFFFFF;
	(pc) =	sbr.abs _section_cstart, $3  }
0xc4: {  	[dreg:$0x1] =	wrdreg $0xFFFFFFFF  }
0xc5: {  	_ =	task.clear_ibuf [dreg:s9], $0x2FFFF;
	_ =	strace $0x9FFFFFFF  }
0xc6: {  	(tm) =	ssettm $0x7FFFFFFF  }
0xc7: {  	_ =	shalt  }
tec
execute0_lowered:
.L_overlay_start_1:
0x0: {  	(tag) =	ssettag $0x1  }
0x1: {  	s0 =	rddreg [dreg:$0x0]  }
0x2: {  	s1 =	rddreg [dreg:$0x1]  }
0x3: {  	s3 =	rddreg [dreg:$0x2]  }
0x4: {  	s18 =	srdreg.scid;
	s2 =	rddreg [dreg:$0x3]  }
0x5: {  	s4 =	stileid.u32;
	[dreg:$0x5] =	wrdreg s1;
	s26 =	sand.u32 $0x1, s18  }
0x6: {  	s5 =	sshll.u32 s4, $0xA;
	s1 =	simm.s32 $0x0;
	s6 =	sshll.u32 s26, $0x9  }
0x7: {  	[smem:$0x7FF] =	sst s1;
	s5 =	sor.u32 s6, s5  }
0x8: {  	_ =	strace $0x80000047;
	s6 =	sshrl.u32 s5, $0x3;
	s5 =	sshll.u32 s5, $0x4  }
0x9: {  	s8 =	rddreg [dreg:$0x5];
	s0 =	sadd.s32 s0, s6;
	s3 =	sadd.s32 s3, s5  }
0xa: {  	[dreg:$0x6] =	wrdreg s0;
	s19 =	sadd.s32 $0x400, s3  }
0xb: {  	s20 =	sadd.s32 $0x800, s3;
	[dreg:$0x7] =	wrdreg s19  }
0xc: {  	s21 =	sadd.s32 $0xC00, s3;
	[dreg:$0x8] =	wrdreg s20  }
0xd: {  	s22 =	sadd.s32 $0x1000, s3;
	[dreg:$0x9] =	wrdreg s21  }
0xe: {  	p0 =	sne.s32 s4, $0x0;
	s23 =	sadd.s32 $0x1400, s3;
	[dreg:$0xa] =	wrdreg s22  }
0xf: {  	s25 =	simm.s32 $0x808;
	s7 =	simm.s32 @!p0 $0x4;
	[dreg:$0xb] =	wrdreg s23  }
0x10: {  	s5 =	sshrl.u32 @!p0 s2, $0x3;
	s6 =	simm.s32 @!p0 $0x1C04;
	s24 =	rddreg [dreg:$0x6]  }
0x11: {  	[tilespmem:s25], [sflag:$0x1] =	stream.linear.gather [hbm4b:s24+s1], $0x200, $0x38;
	[tilespmem:$0x10E08] =	vst v63  }
0x12: {  	[spmem:s5], [sflag:s6] =	dma.local @!p0 [hbm:s8], $0x1010  }
0x13: {  	_ =	swait.ge @!p0 [sflag:s7], $0x1010  }
0x14: {  	[sflag:s7] =	ssyncset.done @!p0 $0x0  }
0x15: {  	s8 =	simm.s32 $0x1;
	[sflag:s7] =	ssyncadd.s32 @!p0 $0xFFFFEFF0  }
0x16: {  	_ =	swait.ge [sflag:s8], $0x200  }
0x17: {  	[sflag:s8] =	ssyncset.done $0x0  }
0x18: {  	[sflag:s8] =	ssyncadd.s32 $0xFFFFFE00  }
0x19: {  	[bflag:$0x0] =	sbarrier.arrive $0xFFFF  }
0x1a: {  	v0 =	vld [tilespmem:$0x838]  }
0x1b: {  	v1 =	vld [tilespmem:$0x808]  }
0x1c: {  	v2 =	vld [tilespmem:$0x828]  }
0x1d: {  	v3 =	vld [tilespmem:$0x818];
	_ =	sdelay $0x2  }
0x1e: {  	v0 =	vadd.s32 $0xFFFFF89A, v0  }
0x1f: {  	v1 =	vadd.s32 $0xFFFFF89A, v1;
	v2 =	vadd.s32 $0xFFFFF89A, v2;
	vm0 =	vgt.s32 v0, $0x0  }
0x20: {  	v3 =	vadd.s32 $0xFFFFF89A, v3;
	vm1 =	vgt.s32 v1, $0x0;
	v0 =	vnsel vm0, $0x0, v0  }
0x21: {  	vm10 =	vgt.s32 v3, $0x0;
	v1 =	vnsel vm1, $0x0, v1;
	v0 =	vmin.u32 v0, $0x100  }
0x22: {  	vm11 =	vgt.s32 v2, $0x0;
	v13 =	vnsel vm10, $0x0, v3;
	v1 =	vmin.u32 v1, $0x100;
	[tilespmem:$0xA38] =	vst v0  }
0x23: {  	v14 =	vnsel vm11, $0x0, v2;
	[tilespmem:$0xA08] =	vst v1;
	v0 =	vmin.u32 v13, $0x100  }
0x24: {  	v1 =	vmin.u32 v14, $0x100;
	[tilespmem:$0xA18] =	vst v0  }
0x25: {  	s9 =	simm.s32 $0x40;
	s10 =	simm.s32 $0xA08;
	s11 =	simm.s32 $0xE08;
	[tilespmem:$0xA28] =	vst v1  }
0x26: {  	[tilespmem:s11], [sflag:$0x2] =	stream.indirect.gather [spmem:s2], $0x80, s10, s9, $0xb8;
	[tilespmem:$0x10E08] =	vst v63  }
0x27: {  	v15 =	vld [tilespmem:$0x848]  }
0x28: {  	v16 =	vld [tilespmem:$0x858]  }
0x29: {  	v17 =	vld [tilespmem:$0x868]  }
0x2a: {  	v18 =	vld [tilespmem:$0x878];
	_ =	sdelay $0x2  }
0x2b: {  	v1 =	vadd.s32 $0xFFFFF89A, v16  }
0x2c: {  	v0 =	vadd.s32 $0xFFFFF89A, v15;
	v2 =	vadd.s32 $0xFFFFF89A, v17;
	vm12 =	vgt.s32 v1, $0x0  }
0x2d: {  	v3 =	vadd.s32 $0xFFFFF89A, v18;
	vm13 =	vgt.s32 v2, $0x0;
	v1 =	vnsel vm12, $0x0, v1  }
0x2e: {  	vm14 =	vgt.s32 v3, $0x0;
	v2 =	vnsel vm13, $0x0, v2;
	v1 =	vmin.u32 v1, $0x100  }
0x2f: {  	vm15 =	vgt.s32 v0, $0x0;
	v20 =	vnsel vm14, $0x0, v3;
	v19 =	vmin.u32 v2, $0x100;
	[tilespmem:$0xA98] =	vst v1  }
0x30: {  	v0 =	vnsel vm15, $0x0, v0;
	v21 =	vmin.u32 v20, $0x100;
	[tilespmem:$0xAA8] =	vst v19  }
0x31: {  	v0 =	vmin.u32 v0, $0x100;
	[tilespmem:$0xAB8] =	vst v21  }
0x32: {  	s13 =	simm.s32 $0xA88;
	s12 =	simm.s32 $0x2E08;
	[tilespmem:$0xA88] =	vst v0  }
0x33: {  	[tilespmem:s12], [sflag:$0x2] =	stream.indirect.gather [spmem:s2], $0x80, s13, s9, $0xb8;
	[tilespmem:$0x10E08] =	vst v63  }
0x34: {  	v22 =	vld [tilespmem:$0x888]  }
0x35: {  	v23 =	vld [tilespmem:$0x898]  }
0x36: {  	v24 =	vld [tilespmem:$0x8A8]  }
0x37: {  	v25 =	vld [tilespmem:$0x8B8];
	_ =	sdelay $0x2  }
0x38: {  	v1 =	vadd.s32 $0xFFFFF89A, v23  }
0x39: {  	v0 =	vadd.s32 $0xFFFFF89A, v22;
	v2 =	vadd.s32 $0xFFFFF89A, v24;
	vm4 =	vgt.s32 v1, $0x0  }
0x3a: {  	v3 =	vadd.s32 $0xFFFFF89A, v25;
	vm5 =	vgt.s32 v2, $0x0;
	v1 =	vnsel vm4, $0x0, v1  }
0x3b: {  	vm6 =	vgt.s32 v3, $0x0;
	v2 =	vnsel vm5, $0x0, v2;
	v1 =	vmin.u32 v1, $0x100  }
0x3c: {  	vm7 =	vgt.s32 v0, $0x0;
	v27 =	vnsel vm6, $0x0, v3;
	v26 =	vmin.u32 v2, $0x100;
	[tilespmem:$0xB18] =	vst v1  }
0x3d: {  	v0 =	vnsel vm7, $0x0, v0;
	v28 =	vmin.u32 v27, $0x100;
	[tilespmem:$0xB28] =	vst v26  }
0x3e: {  	v0 =	vmin.u32 v0, $0x100;
	[tilespmem:$0xB38] =	vst v28  }
0x3f: {  	s15 =	simm.s32 $0xB08;
	s14 =	simm.s32 $0x4E08;
	[tilespmem:$0xB08] =	vst v0  }
0x40: {  	[tilespmem:s14], [sflag:$0x2] =	stream.indirect.gather [spmem:s2], $0x80, s15, s9, $0xb8;
	[tilespmem:$0x10E08] =	vst v63  }
0x41: {  	v29 =	vld [tilespmem:$0x8C8]  }
0x42: {  	v30 =	vld [tilespmem:$0x8D8]  }
0x43: {  	v31 =	vld [tilespmem:$0x8E8]  }
0x44: {  	v32 =	vld [tilespmem:$0x8F8];
	_ =	sdelay $0x2  }
0x45: {  	v1 =	vadd.s32 $0xFFFFF89A, v30  }
0x46: {  	v0 =	vadd.s32 $0xFFFFF89A, v29;
	v2 =	vadd.s32 $0xFFFFF89A, v31;
	vm8 =	vgt.s32 v1, $0x0  }
0x47: {  	v3 =	vadd.s32 $0xFFFFF89A, v32;
	vm9 =	vgt.s32 v2, $0x0;
	v1 =	vnsel vm8, $0x0, v1  }
0x48: {  	vm10 =	vgt.s32 v3, $0x0;
	v2 =	vnsel vm9, $0x0, v2;
	v1 =	vmin.u32 v1, $0x100  }
0x49: {  	vm11 =	vgt.s32 v0, $0x0;
	v34 =	vnsel vm10, $0x0, v3;
	v33 =	vmin.u32 v2, $0x100;
	[tilespmem:$0xB98] =	vst v1  }
0x4a: {  	v0 =	vnsel vm11, $0x0, v0;
	v35 =	vmin.u32 v34, $0x100;
	[tilespmem:$0xBA8] =	vst v33  }
0x4b: {  	v0 =	vmin.u32 v0, $0x100;
	[tilespmem:$0xBB8] =	vst v35  }
0x4c: {  	s17 =	simm.s32 $0xB88;
	s16 =	simm.s32 $0x6E08;
	[tilespmem:$0xB88] =	vst v0  }
0x4d: {  	[tilespmem:s16], [sflag:$0x2] =	stream.indirect.gather [spmem:s2], $0x80, s17, s9, $0xb8;
	[tilespmem:$0x10E08] =	vst v63  }
0x4e: {  	v36 =	vld [tilespmem:$0x908]  }
0x4f: {  	v37 =	vld [tilespmem:$0x918]  }
0x50: {  	v38 =	vld [tilespmem:$0x928]  }
0x51: {  	v39 =	vld [tilespmem:$0x938];
	_ =	sdelay $0x2  }
0x52: {  	v1 =	vadd.s32 $0xFFFFF89A, v37  }
0x53: {  	v0 =	vadd.s32 $0xFFFFF89A, v36;
	v2 =	vadd.s32 $0xFFFFF89A, v38;
	vm12 =	vgt.s32 v1, $0x0  }
0x54: {  	v3 =	vadd.s32 $0xFFFFF89A, v39;
	vm13 =	vgt.s32 v2, $0x0;
	v1 =	vnsel vm12, $0x0, v1  }
0x55: {  	vm14 =	vgt.s32 v3, $0x0;
	v2 =	vnsel vm13, $0x0, v2;
	v1 =	vmin.u32 v1, $0x100  }
0x56: {  	vm15 =	vgt.s32 v0, $0x0;
	v41 =	vnsel vm14, $0x0, v3;
	v40 =	vmin.u32 v2, $0x100;
	[tilespmem:$0xC18] =	vst v1  }
0x57: {  	v0 =	vnsel vm15, $0x0, v0;
	v42 =	vmin.u32 v41, $0x100;
	[tilespmem:$0xC28] =	vst v40  }
0x58: {  	v0 =	vmin.u32 v0, $0x100;
	[tilespmem:$0xC38] =	vst v42  }
0x59: {  	s18 =	simm.s32 $0x8E08;
	s19 =	simm.s32 $0xC08;
	[tilespmem:$0xC08] =	vst v0  }
0x5a: {  	[tilespmem:s18], [sflag:$0x2] =	stream.indirect.gather [spmem:s2], $0x80, s19, s9, $0xb8;
	[tilespmem:$0x10E08] =	vst v63  }
0x5b: {  	v43 =	vld [tilespmem:$0x948]  }
0x5c: {  	v44 =	vld [tilespmem:$0x958]  }
0x5d: {  	v45 =	vld [tilespmem:$0x968]  }
0x5e: {  	v46 =	vld [tilespmem:$0x978];
	_ =	sdelay $0x2  }
0x5f: {  	v1 =	vadd.s32 $0xFFFFF89A, v44  }
0x60: {  	v0 =	vadd.s32 $0xFFFFF89A, v43;
	v2 =	vadd.s32 $0xFFFFF89A, v45;
	vm4 =	vgt.s32 v1, $0x0  }
0x61: {  	v3 =	vadd.s32 $0xFFFFF89A, v46;
	vm5 =	vgt.s32 v2, $0x0;
	v1 =	vnsel vm4, $0x0, v1  }
0x62: {  	vm6 =	vgt.s32 v3, $0x0;
	v2 =	vnsel vm5, $0x0, v2;
	v1 =	vmin.u32 v1, $0x100  }
0x63: {  	vm7 =	vgt.s32 v0, $0x0;
	v48 =	vnsel vm6, $0x0, v3;
	v47 =	vmin.u32 v2, $0x100;
	[tilespmem:$0xC98] =	vst v1  }
0x64: {  	v0 =	vnsel vm7, $0x0, v0;
	v49 =	vmin.u32 v48, $0x100;
	[tilespmem:$0xCA8] =	vst v47  }
0x65: {  	v0 =	vmin.u32 v0, $0x100;
	[tilespmem:$0xCB8] =	vst v49  }
0x66: {  	s21 =	simm.s32 $0xC88;
	s20 =	simm.s32 $0xAE08;
	[tilespmem:$0xC88] =	vst v0  }
0x67: {  	[tilespmem:s20], [sflag:$0x2] =	stream.indirect.gather [spmem:s2], $0x80, s21, s9, $0xb8;
	[tilespmem:$0x10E08] =	vst v63  }
0x68: {  	v50 =	vld [tilespmem:$0x988]  }
0x69: {  	v51 =	vld [tilespmem:$0x998]  }
0x6a: {  	v52 =	vld [tilespmem:$0x9A8]  }
0x6b: {  	v53 =	vld [tilespmem:$0x9B8];
	_ =	sdelay $0x2  }
0x6c: {  	v1 =	vadd.s32 $0xFFFFF89A, v51  }
0x6d: {  	v0 =	vadd.s32 $0xFFFFF89A, v50;
	v2 =	vadd.s32 $0xFFFFF89A, v52;
	vm8 =	vgt.s32 v1, $0x0  }
0x6e: {  	v3 =	vadd.s32 $0xFFFFF89A, v53;
	vm9 =	vgt.s32 v2, $0x0;
	v1 =	vnsel vm8, $0x0, v1  }
0x6f: {  	vm10 =	vgt.s32 v3, $0x0;
	v2 =	vnsel vm9, $0x0, v2;
	v1 =	vmin.u32 v1, $0x100  }
0x70: {  	vm11 =	vgt.s32 v0, $0x0;
	v55 =	vnsel vm10, $0x0, v3;
	v54 =	vmin.u32 v2, $0x100;
	[tilespmem:$0xD18] =	vst v1  }
0x71: {  	v0 =	vnsel vm11, $0x0, v0;
	v56 =	vmin.u32 v55, $0x100;
	[tilespmem:$0xD28] =	vst v54  }
0x72: {  	v0 =	vmin.u32 v0, $0x100;
	[tilespmem:$0xD38] =	vst v56  }
0x73: {  	s22 =	simm.s32 $0xCE08;
	s24 =	simm.s32 $0xD08;
	[tilespmem:$0xD08] =	vst v0  }
0x74: {  	[tilespmem:s22], [sflag:$0x2] =	stream.indirect.gather [spmem:s2], $0x80, s24, s9, $0xb8;
	[tilespmem:$0x10E08] =	vst v63  }
0x75: {  	v57 =	vld [tilespmem:$0x9C8]  }
0x76: {  	v58 =	vld [tilespmem:$0x9D8]  }
0x77: {  	v59 =	vld [tilespmem:$0x9E8]  }
0x78: {  	v60 =	vld [tilespmem:$0x9F8];
	_ =	sdelay $0x2  }
0x79: {  	v1 =	vadd.s32 $0xFFFFF89A, v58  }
0x7a: {  	v0 =	vadd.s32 $0xFFFFF89A, v57;
	v2 =	vadd.s32 $0xFFFFF89A, v59;
	vm12 =	vgt.s32 v1, $0x0  }
0x7b: {  	v3 =	vadd.s32 $0xFFFFF89A, v60;
	vm13 =	vgt.s32 v2, $0x0;
	v1 =	vnsel vm12, $0x0, v1  }
0x7c: {  	vm14 =	vgt.s32 v3, $0x0;
	v2 =	vnsel vm13, $0x0, v2;
	v1 =	vmin.u32 v1, $0x100  }
0x7d: {  	s6 =	ssub.s32 $0x2, s26;
	vm15 =	vgt.s32 v0, $0x0;
	v62 =	vnsel vm14, $0x0, v3;
	v61 =	vmin.u32 v2, $0x100;
	[tilespmem:$0xD98] =	vst v1  }
0x7e: {  	s26 =	sshrl.u32 s6, $0x1;
	v0 =	vnsel vm15, $0x0, v0;
	v63 =	vmin.u32 v62, $0x100;
	[tilespmem:$0xDA8] =	vst v61  }
0x7f: {  	s30 =	simm.s32 $0xD88;
	s0 =	ssub.s32 s6, s26;
	v0 =	vmin.u32 v0, $0x100;
	[tilespmem:$0xDB8] =	vst v63  }
0x80: {  	s23 =	simm.s32 $0xEE08;
	s25 =	simm.s32 $0x2;
	s0 =	smax.u32 s0, $0x1;
	[tilespmem:$0xD88] =	vst v0  }
0x81: {  	[tilespmem:s23], [sflag:$0x2] =	stream.indirect.gather [spmem:s2], $0x80, s30, s9, $0xb8;
	[tilespmem:$0x10E08] =	vst v63  }
0x82: {  	s31 =	sadd.s32 $0xFFFFFFFF, s0;
	_ =	swait.ge [sflag:s25], $0x2000  }
0x83: {  	p1 =	sne.s32 s31, $0x0;
	[sflag:s25] =	ssyncset.done $0x0  }
.Ltmp0:
0x84: {  	[sflag:s25] =	ssyncadd.s32 $0xFFFFE000;
	(pc) =	sbr.rel @!p1 .LBB2_3-.Ltmp0, $4  }
0x85: {  	[hbm4b:s3+s1] =	stream.linear.scatter [tilespmem:s11], [sflag:$0x3], $0x2000, $0x38;
	[tilespmem:$0x10E08] =	vst v63  }
0x86: {  	_ =	swait.ge [sflag:s25], $0x2000  }
0x87: {  	s29 =	sadd.s32 $0x1800, s3;
	s28 =	sadd.s32 $0x1C00, s3;
	[sflag:s25] =	ssyncset.done $0x0  }
0x88: {  	s26 =	simm.s32 $0x3;
	s0 =	rddreg [dreg:$0x7];
	[sflag:s25] =	ssyncadd.s32 $0xFFFFE000  }
0x89: {  	s6 =	simm.s32 $0x808  }
.LBB2_2:
0x8a: {  	[hbm4b:s0+s1] =	stream.linear.scatter [tilespmem:s12], [sflag:$0x3], $0x2000, $0x38;
	[tilespmem:$0x10E08] =	vst v63  }
0x8b: {  	_ =	swait.ge [sflag:s25], $0x2000  }
0x8c: {  	[sflag:s25] =	ssyncset.done $0x0  }
0x8d: {  	s4 =	rddreg [dreg:$0x8];
	[sflag:s25] =	ssyncadd.s32 $0xFFFFE000  }
0x8e: {  	[hbm4b:s4+s1] =	stream.linear.scatter [tilespmem:s14], [sflag:$0x3], $0x2000, $0x38;
	[tilespmem:$0x10E08] =	vst v63  }
0x8f: {  	_ =	swait.ge [sflag:s25], $0x2000  }
0x90: {  	[sflag:s25] =	ssyncset.done $0x0  }
0x91: {  	s4 =	rddreg [dreg:$0x9];
	[sflag:s25] =	ssyncadd.s32 $0xFFFFE000  }
0x92: {  	[hbm4b:s4+s1] =	stream.linear.scatter [tilespmem:s16], [sflag:$0x3], $0x2000, $0x38;
	[tilespmem:$0x10E08] =	vst v63  }
0x93: {  	_ =	swait.ge [sflag:s25], $0x2000  }
0x94: {  	[sflag:s25] =	ssyncset.done $0x0  }
0x95: {  	s4 =	rddreg [dreg:$0xa];
	[sflag:s25] =	ssyncadd.s32 $0xFFFFE000  }
0x96: {  	[hbm4b:s4+s1] =	stream.linear.scatter [tilespmem:s18], [sflag:$0x3], $0x2000, $0x38;
	[tilespmem:$0x10E08] =	vst v63  }
0x97: {  	_ =	swait.ge [sflag:s25], $0x2000  }
0x98: {  	[sflag:s25] =	ssyncset.done $0x0  }
0x99: {  	s4 =	rddreg [dreg:$0xb];
	[sflag:s25] =	ssyncadd.s32 $0xFFFFE000  }
0x9a: {  	[hbm4b:s4+s1] =	stream.linear.scatter [tilespmem:s20], [sflag:$0x3], $0x2000, $0x38;
	[tilespmem:$0x10E08] =	vst v63  }
0x9b: {  	_ =	swait.ge [sflag:s25], $0x2000  }
0x9c: {  	[sflag:s25] =	ssyncset.done $0x0  }
0x9d: {  	[sflag:s25] =	ssyncadd.s32 $0xFFFFE000  }
0x9e: {  	[hbm4b:s29+s1] =	stream.linear.scatter [tilespmem:s22], [sflag:$0x3], $0x2000, $0x38;
	[tilespmem:$0x10E08] =	vst v63  }
0x9f: {  	_ =	swait.ge [sflag:s25], $0x2000  }
0xa0: {  	[sflag:s25] =	ssyncset.done $0x0  }
0xa1: {  	[sflag:s25] =	ssyncadd.s32 $0xFFFFE000  }
0xa2: {  	[hbm4b:s28+s1] =	stream.linear.scatter [tilespmem:s23], [sflag:$0x3], $0x2000, $0x38;
	[tilespmem:$0x10E08] =	vst v63  }
0xa3: {  	_ =	swait.ge [sflag:s26], $0x10000  }
0xa4: {  	[sflag:s26] =	ssyncset.done $0x0  }
0xa5: {  	s0 =	rddreg [dreg:$0x6];
	[sflag:s26] =	ssyncadd.s32 $0xFFFF0000  }
0xa6: {  	[tilespmem:s6], [sflag:$0x1] =	stream.linear.gather [hbm4b:s0+s1], $0x200, $0x38;
	[tilespmem:$0x10E08] =	vst v63  }
0xa7: {  	s4 =	rddreg [dreg:$0x5];
	s0 =	simm.s32 @!p0 $0x1C04  }
0xa8: {  	[spmem:s5], [sflag:s0] =	dma.local @!p0 [hbm:s4], $0x1010  }
0xa9: {  	_ =	swait.ge @!p0 [sflag:s7], $0x1010  }
0xaa: {  	[sflag:s7] =	ssyncset.done @!p0 $0x0  }
0xab: {  	[sflag:s7] =	ssyncadd.s32 @!p0 $0xFFFFEFF0  }
0xac: {  	_ =	swait.ge [sflag:s8], $0x200  }
0xad: {  	[sflag:s8] =	ssyncset.done $0x0  }
0xae: {  	[sflag:s8] =	ssyncadd.s32 $0xFFFFFE00  }
0xaf: {  	[bflag:$0x0] =	sbarrier.arrive $0xFFFF  }
0xb0: {  	v0 =	vld [tilespmem:$0x838]  }
0xb1: {  	v1 =	vld [tilespmem:$0x808]  }
0xb2: {  	v2 =	vld [tilespmem:$0x828]  }
0xb3: {  	v3 =	vld [tilespmem:$0x818];
	_ =	sdelay $0x2  }
0xb4: {  	v0 =	vadd.s32 $0xFFFFF89A, v0  }
0xb5: {  	v1 =	vadd.s32 $0xFFFFF89A, v1;
	v2 =	vadd.s32 $0xFFFFF89A, v2;
	vm0 =	vgt.s32 v0, $0x0  }
0xb6: {  	v3 =	vadd.s32 $0xFFFFF89A, v3;
	vm1 =	vgt.s32 v1, $0x0;
	v0 =	vnsel vm0, $0x0, v0  }
0xb7: {  	vm10 =	vgt.s32 v3, $0x0;
	v1 =	vnsel vm1, $0x0, v1;
	v0 =	vmin.u32 v0, $0x100  }
0xb8: {  	vm11 =	vgt.s32 v2, $0x0;
	v13 =	vnsel vm10, $0x0, v3;
	v1 =	vmin.u32 v1, $0x100;
	[tilespmem:$0xA38] =	vst v0  }
0xb9: {  	v14 =	vnsel vm11, $0x0, v2;
	[tilespmem:$0xA08] =	vst v1;
	v0 =	vmin.u32 v13, $0x100  }
0xba: {  	v1 =	vmin.u32 v14, $0x100;
	[tilespmem:$0xA18] =	vst v0  }
0xbb: {  	[tilespmem:$0xA28] =	vst v1  }
0xbc: {  	[tilespmem:s11], [sflag:$0x2] =	stream.indirect.gather [spmem:s2], $0x80, s10, s9, $0xb8;
	[tilespmem:$0x10E08] =	vst v63  }
0xbd: {  	v15 =	vld [tilespmem:$0x848]  }
0xbe: {  	v16 =	vld [tilespmem:$0x858]  }
0xbf: {  	v17 =	vld [tilespmem:$0x868]  }
0xc0: {  	v18 =	vld [tilespmem:$0x878];
	_ =	sdelay $0x2  }
0xc1: {  	v1 =	vadd.s32 $0xFFFFF89A, v16  }
0xc2: {  	v0 =	vadd.s32 $0xFFFFF89A, v15;
	v2 =	vadd.s32 $0xFFFFF89A, v17;
	vm13 =	vgt.s32 v1, $0x0  }
0xc3: {  	v3 =	vadd.s32 $0xFFFFF89A, v18;
	vm14 =	vgt.s32 v2, $0x0;
	v1 =	vnsel vm13, $0x0, v1  }
0xc4: {  	vm15 =	vgt.s32 v3, $0x0;
	v2 =	vnsel vm14, $0x0, v2;
	v1 =	vmin.u32 v1, $0x100  }
0xc5: {  	vm12 =	vgt.s32 v0, $0x0;
	v20 =	vnsel vm15, $0x0, v3;
	v19 =	vmin.u32 v2, $0x100;
	[tilespmem:$0xA98] =	vst v1  }
0xc6: {  	v0 =	vnsel vm12, $0x0, v0;
	v21 =	vmin.u32 v20, $0x100;
	[tilespmem:$0xAA8] =	vst v19  }
0xc7: {  	v0 =	vmin.u32 v0, $0x100;
	[tilespmem:$0xAB8] =	vst v21  }
0xc8: {  	[tilespmem:$0xA88] =	vst v0  }
0xc9: {  	[tilespmem:s12], [sflag:$0x2] =	stream.indirect.gather [spmem:s2], $0x80, s13, s9, $0xb8;
	[tilespmem:$0x10E08] =	vst v63  }
0xca: {  	v22 =	vld [tilespmem:$0x888]  }
0xcb: {  	v23 =	vld [tilespmem:$0x898]  }
0xcc: {  	v24 =	vld [tilespmem:$0x8A8]  }
0xcd: {  	v25 =	vld [tilespmem:$0x8B8];
	_ =	sdelay $0x2  }
0xce: {  	v1 =	vadd.s32 $0xFFFFF89A, v23  }
0xcf: {  	v0 =	vadd.s32 $0xFFFFF89A, v22;
	v2 =	vadd.s32 $0xFFFFF89A, v24;
	vm5 =	vgt.s32 v1, $0x0  }
0xd0: {  	v3 =	vadd.s32 $0xFFFFF89A, v25;
	vm6 =	vgt.s32 v2, $0x0;
	v1 =	vnsel vm5, $0x0, v1  }
0xd1: {  	vm7 =	vgt.s32 v3, $0x0;
	v2 =	vnsel vm6, $0x0, v2;
	v1 =	vmin.u32 v1, $0x100  }
0xd2: {  	vm4 =	vgt.s32 v0, $0x0;
	v27 =	vnsel vm7, $0x0, v3;
	v26 =	vmin.u32 v2, $0x100;
	[tilespmem:$0xB18] =	vst v1  }
0xd3: {  	v0 =	vnsel vm4, $0x0, v0;
	v28 =	vmin.u32 v27, $0x100;
	[tilespmem:$0xB28] =	vst v26  }
0xd4: {  	v0 =	vmin.u32 v0, $0x100;
	[tilespmem:$0xB38] =	vst v28  }
0xd5: {  	[tilespmem:$0xB08] =	vst v0  }
0xd6: {  	[tilespmem:s14], [sflag:$0x2] =	stream.indirect.gather [spmem:s2], $0x80, s15, s9, $0xb8;
	[tilespmem:$0x10E08] =	vst v63  }
0xd7: {  	v29 =	vld [tilespmem:$0x8C8]  }
0xd8: {  	v30 =	vld [tilespmem:$0x8D8]  }
0xd9: {  	v31 =	vld [tilespmem:$0x8E8]  }
0xda: {  	v32 =	vld [tilespmem:$0x8F8];
	_ =	sdelay $0x2  }
0xdb: {  	v1 =	vadd.s32 $0xFFFFF89A, v30  }
0xdc: {  	v0 =	vadd.s32 $0xFFFFF89A, v29;
	v2 =	vadd.s32 $0xFFFFF89A, v31;
	vm9 =	vgt.s32 v1, $0x0  }
0xdd: {  	v3 =	vadd.s32 $0xFFFFF89A, v32;
	vm10 =	vgt.s32 v2, $0x0;
	v1 =	vnsel vm9, $0x0, v1  }
0xde: {  	vm11 =	vgt.s32 v3, $0x0;
	v2 =	vnsel vm10, $0x0, v2;
	v1 =	vmin.u32 v1, $0x100  }
0xdf: {  	vm8 =	vgt.s32 v0, $0x0;
	v34 =	vnsel vm11, $0x0, v3;
	v33 =	vmin.u32 v2, $0x100;
	[tilespmem:$0xB98] =	vst v1  }
0xe0: {  	v0 =	vnsel vm8, $0x0, v0;
	v35 =	vmin.u32 v34, $0x100;
	[tilespmem:$0xBA8] =	vst v33  }
0xe1: {  	v0 =	vmin.u32 v0, $0x100;
	[tilespmem:$0xBB8] =	vst v35  }
0xe2: {  	[tilespmem:$0xB88] =	vst v0  }
0xe3: {  	[tilespmem:s16], [sflag:$0x2] =	stream.indirect.gather [spmem:s2], $0x80, s17, s9, $0xb8;
	[tilespmem:$0x10E08] =	vst v63  }
0xe4: {  	v36 =	vld [tilespmem:$0x908]  }
0xe5: {  	v37 =	vld [tilespmem:$0x918]  }
0xe6: {  	v38 =	vld [tilespmem:$0x928]  }
0xe7: {  	v39 =	vld [tilespmem:$0x938];
	_ =	sdelay $0x2  }
0xe8: {  	v1 =	vadd.s32 $0xFFFFF89A, v37  }
0xe9: {  	v0 =	vadd.s32 $0xFFFFF89A, v36;
	v2 =	vadd.s32 $0xFFFFF89A, v38;
	vm13 =	vgt.s32 v1, $0x0  }
0xea: {  	v3 =	vadd.s32 $0xFFFFF89A, v39;
	vm14 =	vgt.s32 v2, $0x0;
	v1 =	vnsel vm13, $0x0, v1  }
0xeb: {  	vm15 =	vgt.s32 v3, $0x0;
	v2 =	vnsel vm14, $0x0, v2;
	v1 =	vmin.u32 v1, $0x100  }
0xec: {  	vm12 =	vgt.s32 v0, $0x0;
	v41 =	vnsel vm15, $0x0, v3;
	v40 =	vmin.u32 v2, $0x100;
	[tilespmem:$0xC18] =	vst v1  }
0xed: {  	v0 =	vnsel vm12, $0x0, v0;
	v42 =	vmin.u32 v41, $0x100;
	[tilespmem:$0xC28] =	vst v40  }
0xee: {  	v0 =	vmin.u32 v0, $0x100;
	[tilespmem:$0xC38] =	vst v42  }
0xef: {  	[tilespmem:$0xC08] =	vst v0  }
0xf0: {  	[tilespmem:s18], [sflag:$0x2] =	stream.indirect.gather [spmem:s2], $0x80, s19, s9, $0xb8;
	[tilespmem:$0x10E08] =	vst v63  }
0xf1: {  	v43 =	vld [tilespmem:$0x948]  }
0xf2: {  	v44 =	vld [tilespmem:$0x958]  }
0xf3: {  	v45 =	vld [tilespmem:$0x968]  }
0xf4: {  	v46 =	vld [tilespmem:$0x978];
	_ =	sdelay $0x2  }
0xf5: {  	v1 =	vadd.s32 $0xFFFFF89A, v44  }
0xf6: {  	v0 =	vadd.s32 $0xFFFFF89A, v43;
	v2 =	vadd.s32 $0xFFFFF89A, v45;
	vm5 =	vgt.s32 v1, $0x0  }
0xf7: {  	v3 =	vadd.s32 $0xFFFFF89A, v46;
	vm6 =	vgt.s32 v2, $0x0;
	v1 =	vnsel vm5, $0x0, v1  }
0xf8: {  	vm7 =	vgt.s32 v3, $0x0;
	v2 =	vnsel vm6, $0x0, v2;
	v1 =	vmin.u32 v1, $0x100  }
0xf9: {  	vm4 =	vgt.s32 v0, $0x0;
	v48 =	vnsel vm7, $0x0, v3;
	v47 =	vmin.u32 v2, $0x100;
	[tilespmem:$0xC98] =	vst v1  }
0xfa: {  	v0 =	vnsel vm4, $0x0, v0;
	v49 =	vmin.u32 v48, $0x100;
	[tilespmem:$0xCA8] =	vst v47  }
0xfb: {  	v0 =	vmin.u32 v0, $0x100;
	[tilespmem:$0xCB8] =	vst v49  }
0xfc: {  	[tilespmem:$0xC88] =	vst v0  }
0xfd: {  	[tilespmem:s20], [sflag:$0x2] =	stream.indirect.gather [spmem:s2], $0x80, s21, s9, $0xb8;
	[tilespmem:$0x10E08] =	vst v63  }
0xfe: {  	v50 =	vld [tilespmem:$0x988]  }
0xff: {  	v51 =	vld [tilespmem:$0x998]  }
0x100: {  	v52 =	vld [tilespmem:$0x9A8]  }
0x101: {  	v53 =	vld [tilespmem:$0x9B8];
	_ =	sdelay $0x2  }
0x102: {  	v1 =	vadd.s32 $0xFFFFF89A, v51  }
0x103: {  	v0 =	vadd.s32 $0xFFFFF89A, v50;
	v2 =	vadd.s32 $0xFFFFF89A, v52;
	vm9 =	vgt.s32 v1, $0x0  }
0x104: {  	v3 =	vadd.s32 $0xFFFFF89A, v53;
	vm10 =	vgt.s32 v2, $0x0;
	v1 =	vnsel vm9, $0x0, v1  }
0x105: {  	vm11 =	vgt.s32 v3, $0x0;
	v2 =	vnsel vm10, $0x0, v2;
	v1 =	vmin.u32 v1, $0x100  }
0x106: {  	vm8 =	vgt.s32 v0, $0x0;
	v55 =	vnsel vm11, $0x0, v3;
	v54 =	vmin.u32 v2, $0x100;
	[tilespmem:$0xD18] =	vst v1  }
0x107: {  	v0 =	vnsel vm8, $0x0, v0;
	v56 =	vmin.u32 v55, $0x100;
	[tilespmem:$0xD28] =	vst v54  }
0x108: {  	v0 =	vmin.u32 v0, $0x100;
	[tilespmem:$0xD38] =	vst v56  }
0x109: {  	[tilespmem:$0xD08] =	vst v0  }
0x10a: {  	[tilespmem:s22], [sflag:$0x2] =	stream.indirect.gather [spmem:s2], $0x80, s24, s9, $0xb8;
	[tilespmem:$0x10E08] =	vst v63  }
0x10b: {  	v57 =	vld [tilespmem:$0x9C8]  }
0x10c: {  	v58 =	vld [tilespmem:$0x9D8]  }
0x10d: {  	v59 =	vld [tilespmem:$0x9E8]  }
0x10e: {  	v60 =	vld [tilespmem:$0x9F8];
	_ =	sdelay $0x2  }
0x10f: {  	v1 =	vadd.s32 $0xFFFFF89A, v58  }
0x110: {  	v0 =	vadd.s32 $0xFFFFF89A, v57;
	v2 =	vadd.s32 $0xFFFFF89A, v59;
	vm13 =	vgt.s32 v1, $0x0  }
0x111: {  	v3 =	vadd.s32 $0xFFFFF89A, v60;
	vm14 =	vgt.s32 v2, $0x0;
	v1 =	vnsel vm13, $0x0, v1  }
0x112: {  	vm15 =	vgt.s32 v3, $0x0;
	v2 =	vnsel vm14, $0x0, v2;
	v1 =	vmin.u32 v1, $0x100  }
0x113: {  	vm12 =	vgt.s32 v0, $0x0;
	v62 =	vnsel vm15, $0x0, v3;
	v61 =	vmin.u32 v2, $0x100;
	[tilespmem:$0xD98] =	vst v1  }
0x114: {  	v0 =	vnsel vm12, $0x0, v0;
	v63 =	vmin.u32 v62, $0x100;
	[tilespmem:$0xDA8] =	vst v61  }
0x115: {  	v0 =	vmin.u32 v0, $0x100;
	[tilespmem:$0xDB8] =	vst v63  }
0x116: {  	[tilespmem:$0xD88] =	vst v0  }
0x117: {  	[tilespmem:s23], [sflag:$0x2] =	stream.indirect.gather [spmem:s2], $0x80, s30, s9, $0xb8;
	[tilespmem:$0x10E08] =	vst v63  }
0x118: {  	s31 =	sadd.s32 $0xFFFFFFFF, s31;
	_ =	swait.ge [sflag:s25], $0x2000  }
0x119: {  	p1 =	sne.s32 s31, $0x0;
	[sflag:s25] =	ssyncset.done $0x0  }
.Ltmp1:
0x11a: {  	[sflag:s25] =	ssyncadd.s32 $0xFFFFE000;
	(pc) =	sbr.rel @p1 .LBB2_2-.Ltmp1, $4  }
0x11b: {  	[hbm4b:s3+s1] =	stream.linear.scatter [tilespmem:s11], [sflag:$0x3], $0x2000, $0x38;
	[tilespmem:$0x10E08] =	vst v63  }
0x11c: {  	_ =	swait.ge [sflag:s25], $0x2000  }
0x11d: {  	[sflag:s25] =	ssyncset.done $0x0  }
0x11e: {  	s0 =	rddreg [dreg:$0x7];
	[sflag:s25] =	ssyncadd.s32 $0xFFFFE000  }
.LBB2_3:
0x11f: {  	[hbm4b:s0+s1] =	stream.linear.scatter [tilespmem:s12], [sflag:$0x3], $0x2000, $0x38;
	[tilespmem:$0x10E08] =	vst v63  }
0x120: {  	_ =	swait.ge [sflag:s25], $0x2000  }
0x121: {  	[sflag:s25] =	ssyncset.done $0x0  }
0x122: {  	s21 =	rddreg [dreg:$0x8];
	[sflag:s25] =	ssyncadd.s32 $0xFFFFE000  }
0x123: {  	[hbm4b:s21+s1] =	stream.linear.scatter [tilespmem:s14], [sflag:$0x3], $0x2000, $0x38;
	[tilespmem:$0x10E08] =	vst v63  }
0x124: {  	_ =	swait.ge [sflag:s25], $0x2000  }
0x125: {  	[sflag:s25] =	ssyncset.done $0x0  }
0x126: {  	s24 =	rddreg [dreg:$0x9];
	[sflag:s25] =	ssyncadd.s32 $0xFFFFE000  }
0x127: {  	[hbm4b:s24+s1] =	stream.linear.scatter [tilespmem:s16], [sflag:$0x3], $0x2000, $0x38;
	[tilespmem:$0x10E08] =	vst v63  }
0x128: {  	_ =	swait.ge [sflag:s25], $0x2000  }
0x129: {  	[sflag:s25] =	ssyncset.done $0x0  }
0x12a: {  	s30 =	rddreg [dreg:$0xa];
	[sflag:s25] =	ssyncadd.s32 $0xFFFFE000  }
0x12b: {  	[hbm4b:s30+s1] =	stream.linear.scatter [tilespmem:s18], [sflag:$0x3], $0x2000, $0x38;
	[tilespmem:$0x10E08] =	vst v63  }
0x12c: {  	_ =	swait.ge [sflag:s25], $0x2000  }
0x12d: {  	[sflag:s25] =	ssyncset.done $0x0  }
0x12e: {  	s31 =	rddreg [dreg:$0xb];
	[sflag:s25] =	ssyncadd.s32 $0xFFFFE000  }
0x12f: {  	[hbm4b:s31+s1] =	stream.linear.scatter [tilespmem:s20], [sflag:$0x3], $0x2000, $0x38;
	[tilespmem:$0x10E08] =	vst v63  }
0x130: {  	_ =	swait.ge [sflag:s25], $0x2000  }
0x131: {  	[sflag:s25] =	ssyncset.done $0x0  }
0x132: {  	[sflag:s25] =	ssyncadd.s32 $0xFFFFE000  }
0x133: {  	[hbm4b:s29+s1] =	stream.linear.scatter [tilespmem:s22], [sflag:$0x3], $0x2000, $0x38;
	[tilespmem:$0x10E08] =	vst v63  }
0x134: {  	_ =	swait.ge [sflag:s25], $0x2000  }
0x135: {  	[sflag:s25] =	ssyncset.done $0x0  }
0x136: {  	[sflag:s25] =	ssyncadd.s32 $0xFFFFE000  }
0x137: {  	[hbm4b:s28+s1] =	stream.linear.scatter [tilespmem:s23], [sflag:$0x3], $0x2000, $0x38;
	[tilespmem:$0x10E08] =	vst v63  }
0x138: {  	_ =	swait.ge [sflag:s26], $0x10000  }
0x139: {  	[sflag:s26] =	ssyncset.done $0x0  }
0x13a: {  	[sflag:s26] =	ssyncadd.s32 $0xFFFF0000  }
0x13b: {  	_ =	sfence.sel $0x180000  }
0x13c: {  	[bflag:$0x0] =	sbarrier.arrive $0xFFFF  }
0x13d: {  	_ =	strace $0x90000047  }
0x13e: {  	[bflag:$0x2] =	sbarrier.arrive $0xFFFF  }
0x13f: {  	s0 =	rddreg [dreg:$0x4]  }
0x140: {  	s0 =	sadd.s32 @!p0 $0x100000, s0  }
0x141: {  	[sflag:s0] =	ssyncadd.tile.s32 @!p0 $0x1;
	_ =	shalt  }
.Lfunc_end2:
_tile_overlayer_lowered:
.L_overlay_start_2:
0x142: {  	(tag) =	ssettag $0x2  }
0x143: {  	s0 =	rddreg [dreg:$0x0];
	s2 =	stileid.u32  }
0x144: {  	s1 =	rddreg [dreg:$0x1];
	p0 =	sne.s32 s2, $0x0  }
0x145: {  	s3 =	rddreg [dreg:$0x2];
	[bflag:$0x3] =	sbarrier.arrive $0xFFFF;
	s2 =	simm.s32 @!p0 $0x1C04  }
0x146: {  	[timem:s3], [sflag:s2] =	dma.local @!p0 [hbm:s0], s1  }
0x147: {  	s0 =	simm.s32 @!p0 $0x4  }
0x148: {  	_ =	swait.ge @!p0 [sflag:s0], s1  }
0x149: {  	s1 =	ssub.s32 @!p0 $0x0, s1;
	[sflag:s0] =	ssyncset.done @!p0 $0x0  }
0x14a: {  	[sflag:s0] =	ssyncadd.s32 @!p0 s1  }
0x14b: {  	[bflag:$0x3] =	sbarrier.arrive $0xFFFF  }
0x14c: {  	_ =	shalt  }

</sc_bundles>
